<compile_context>
chip_gen: v7x
topology: tpu7x:2x2x1
jax: 0.10.2.dev20260603
libtpu: 0.0.44.dev20260713+nightly
codegen_flags: <defaults>
</compile_context>

<pallas_src>
import functools

import jax
import jax.numpy as jnp
from jax import lax
from jax.experimental import pallas as pl
from jax.experimental.pallas import tpu as pltpu
from jax.experimental.pallas import tpu_sc as plsc

_CH = 128
_NBUF = 8
_NW = 32


def _sc_gather(flat_tab, idx2):
  nch, ch = idx2.shape
  assert ch == _CH
  rows_total = nch * ch
  e = flat_tab.shape[1]
  nch_w = nch // _NW
  ng = nch_w // _NBUF
  assert nch_w * _NW == nch and ng * _NBUF == nch_w

  mesh = plsc.VectorSubcoreMesh(core_axis_name="c", subcore_axis_name="s")

  @functools.partial(
      pl.kernel,
      mesh=mesh,
      out_type=jax.ShapeDtypeStruct((rows_total, e), jnp.float32),
      scratch_types=[
          pltpu.VMEM((nch_w, _CH), jnp.int32),
          pltpu.VMEM((_NBUF, _CH, e), jnp.float32),
          pltpu.SemaphoreType.DMA((_NBUF,)),
      ],
      compiler_params=pltpu.CompilerParams(use_tc_tiling_on_sc=False),
  )
  def gather_k(tab_hbm, idx_hbm, out_hbm, idx_v, rows_v, gsem):
    cid = lax.axis_index("c")
    sid = lax.axis_index("s")
    wid = sid * 2 + cid
    chunk0 = wid * nch_w
    row0 = chunk0 * _CH
    pltpu.sync_copy(idx_hbm.at[pl.ds(chunk0, nch_w)], idx_v)

    def gather_dma(ci, b):
      return pltpu.make_async_copy(
          tab_hbm.at[idx_v.at[ci]], rows_v.at[b], gsem.at[b])

    for b in range(_NBUF):
      gather_dma(b, b).start()

    def body(g, carry):
      for b in range(_NBUF):
        ci = g * _NBUF + b
        gather_dma(ci, b).wait()
        pltpu.sync_copy(rows_v.at[b],
                        out_hbm.at[pl.ds(row0 + ci * _CH, _CH)])

        @pl.when(g < ng - 1)
        def _():
          gather_dma(ci + _NBUF, b).start()
      return carry

    lax.fori_loop(0, ng, body, 0)

  return gather_k(flat_tab, idx2)


def _mlp(emb2d, xnum_p, w1e, w1n, b1r, w2p, b2r, w3p, b3r):
  b, d_emb = emb2d.shape
  bloc = 1024
  grid = (b // bloc,)

  def mlp_k(emb_ref, xn_ref, w1e_ref, w1n_ref, b1_ref, w2_ref, b2_ref,
            w3_ref, b3_ref, out_ref):
    x1 = jnp.dot(emb_ref[...], w1e_ref[...],
                 preferred_element_type=jnp.float32)
    x1 = x1 + jnp.dot(xn_ref[...], w1n_ref[...],
                      preferred_element_type=jnp.float32)
    h1 = jnp.maximum(x1 + b1_ref[...], 0.0)
    h2 = jnp.maximum(
        jnp.dot(h1, w2_ref[...], preferred_element_type=jnp.float32)
        + b2_ref[...], 0.0)
    out_ref[...] = (
        jnp.dot(h2, w3_ref[...], preferred_element_type=jnp.float32)
        + b3_ref[...])

  return pl.pallas_call(
      mlp_k,
      grid=grid,
      in_specs=[
          pl.BlockSpec((bloc, d_emb), lambda i: (i, 0)),
          pl.BlockSpec((bloc, 128), lambda i: (i, 0)),
          pl.BlockSpec(w1e.shape, lambda i: (0, 0)),
          pl.BlockSpec(w1n.shape, lambda i: (0, 0)),
          pl.BlockSpec(b1r.shape, lambda i: (0, 0)),
          pl.BlockSpec(w2p.shape, lambda i: (0, 0)),
          pl.BlockSpec(b2r.shape, lambda i: (0, 0)),
          pl.BlockSpec(w3p.shape, lambda i: (0, 0)),
          pl.BlockSpec(b3r.shape, lambda i: (0, 0)),
      ],
      out_specs=pl.BlockSpec((bloc, 128), lambda i: (i, 0)),
      out_shape=jax.ShapeDtypeStruct((b, 128), jnp.float32),
      compiler_params=pltpu.CompilerParams(
          dimension_semantics=("arbitrary",)),
  )(emb2d, xnum_p, w1e, w1n, b1r, w2p, b2r, w3p, b3r)


def kernel(x_cat, x_num, tables, W1, b1, W2, b2, W3, b3):
  bsz, f = x_cat.shape
  v, e = tables.shape[1], tables.shape[2]
  d_emb = f * e

  flat_tab = tables.reshape(f * v, e)
  idx = (x_cat.astype(jnp.int32)
         + (jnp.arange(f, dtype=jnp.int32) * v)[None, :])
  idx2 = idx.reshape(-1, _CH)

  rows = _sc_gather(flat_tab, idx2)
  emb2d = rows.reshape(bsz, d_emb)

  n_num = x_num.shape[1]
  xnum_p = jnp.pad(x_num, ((0, 0), (0, 128 - n_num)))
  w1e = W1[:, :d_emb].T
  w1n = jnp.pad(W1[:, d_emb:].T,
                ((0, 128 - n_num), (0, 0)))
  b1r = b1[None, :]
  w2p = jnp.pad(W2.T, ((0, 0), (0, 128 - W2.shape[0])))
  b2r = jnp.pad(b2, (0, 128 - b2.shape[0]))[None, :]
  w3p = jnp.pad(W3.T,
                ((0, 128 - W3.shape[1]), (0, 127)))
  b3r = jnp.broadcast_to(b3, (128,))[None, :]

  out128 = _mlp(emb2d, xnum_p, w1e, w1n, b1r, w2p, b2r, w3p, b3r)
  return out128[:, :1]

# --- scband reference (transcript-rebuilt; emitter-appended) ---
"""Pipeline reference for scband-binary-classifier-embeddings-25013889532163 (READ-ONLY COPY).

The authoritative reference and input builder live on the scoring server;
editing this copy changes nothing except your own understanding.
"""

import jax, jax.numpy as jnp
import numpy as np

NUM_FIELDS = 26
VOCAB = 100000
EMB_DIM = 64
NUM_NUMERIC = 13
BATCH = 16384
INPUT_SIZE = NUM_NUMERIC + NUM_FIELDS * EMB_DIM  # 1677

def setup_inputs(seed: int = 0) -> dict:
    key = jax.random.key(seed)
    ks = jax.random.split(key, 10)
    x_cat = jax.random.randint(ks[0], (BATCH, NUM_FIELDS), 0, VOCAB, dtype=jnp.int64 if jax.config.jax_enable_x64 else jnp.int32)
    x_num = jax.random.normal(ks[1], (BATCH, NUM_NUMERIC), dtype=jnp.float32)
    tables = jax.random.normal(ks[2], (NUM_FIELDS, VOCAB, EMB_DIM), dtype=jnp.float32) * 0.02
    W1 = jax.random.normal(ks[3], (128, INPUT_SIZE), dtype=jnp.float32) * 0.02
    b1 = jnp.zeros((128,), dtype=jnp.float32)
    W2 = jax.random.normal(ks[4], (64, 128), dtype=jnp.float32) * 0.02
    b2 = jnp.zeros((64,), dtype=jnp.float32)
    W3 = jax.random.normal(ks[5], (1, 64), dtype=jnp.float32) * 0.02
    b3 = jnp.zeros((1,), dtype=jnp.float32)
    return {"x_cat": x_cat, "x_num": x_num, "tables": tables,
            "W1": W1, "b1": b1, "W2": W2, "b2": b2, "W3": W3, "b3": b3}

def reference(x_cat, x_num, tables, W1, b1, W2, b2, W3, b3):
    # per-field embedding lookup (gather); all fields have identical table shapes
    f_idx = jnp.arange(NUM_FIELDS)
    emb = tables[f_idx[None, :], x_cat]            # [B, F, E]
    emb = emb.reshape(emb.shape[0], -1)            # [B, F*E], same order as torch cat of per-field embeds
    if x_num.ndim == 1:
        x_num = x_num[:, None]
    x = jnp.concatenate([emb, x_num], axis=1)      # [B, INPUT_SIZE]
    x = jax.nn.relu(x @ W1.T + b1)
    x = jax.nn.relu(x @ W2.T + b2)
    x = x @ W3.T + b3
    return x

if __name__ == "__main__":
    import jax
    _d = setup_inputs()
    print(jax.jit(kernel)(*tuple(_d.values())))

</pallas_src>

<mosaic_0001>
#map = affine_map<(d0, d1) -> (0, 0)>
module attributes {stable_mosaic.version = 14 : i64} {
  func.func @gather_k(%arg0: i32, %arg1: i32, %arg2: memref<2600000x64xf32, #tpu.memory_space<hbm>>, %arg3: memref<3328x128xi32, #tpu.memory_space<hbm>>, %arg4: memref<425984x64xf32, #tpu.memory_space<hbm>>, %arg5: memref<104x128xi32, #tpu.memory_space<vmem>>, %arg6: memref<8x128x64xf32, #tpu.memory_space<vmem>>, %arg7: memref<8x!tpu.dma_semaphore, #tpu.memory_space<semaphore_mem>>) attributes {dimension_semantics = [#tpu.dimension_semantics<core_parallel>, #tpu.dimension_semantics<subcore_parallel>], iteration_bounds = array<i64: 2, 16>, scalar_prefetch = 0 : i64, scratch_operands = 3 : i64, tpu.core_type = #tpu.core_type<sc_vector_subcore>, window_params = [{transform_indices = #map}, {transform_indices = #map}, {transform_indices = #map}]} {
    %mul3A = arith.constant 2 : i32
    %mul3A_0 = arith.muli %arg1, %mul3A : i32
    %add3A = arith.addi %mul3A_0, %arg0 : i32
    %mul3A_1 = arith.constant 104 : i32
    %mul3A_2 = arith.muli %add3A, %mul3A_1 : i32
    %mul3A_3 = arith.constant 128 : i32
    %mul3A_4 = arith.muli %mul3A_2, %mul3A_3 : i32
    "tpu.region"() ({
      %run_scoped3A = tpu.sem_alloc : memref<!tpu.dma_semaphore, #tpu.memory_space<semaphore_mem>>
      %dma_start3A_129 = arith.constant 0 : i32
      %dma_start3A_130 = tpu.memref_slice %arg3[%mul3A_2, %dma_start3A_129] : memref<3328x128xi32, #tpu.memory_space<hbm>> -> memref<104x128xi32, #tpu.memory_space<hbm>>
      %dma_start3A_131 = arith.constant 0 : i32
      %dma_start3A_132 = tpu.memref_slice %arg3[%mul3A_2, %dma_start3A_131] : memref<3328x128xi32, #tpu.memory_space<hbm>> -> memref<104x128xi32, #tpu.memory_space<hbm>>
      tpu.enqueue_dma source(%dma_start3A_132 : memref<104x128xi32, #tpu.memory_space<hbm>>) target(%arg5 : memref<104x128xi32, #tpu.memory_space<vmem>>) target_semaphore(%run_scoped3A : memref<!tpu.dma_semaphore, #tpu.memory_space<semaphore_mem>>)
      %dma_wait3A = arith.constant 0 : i32
      %dma_wait3A_133 = tpu.memref_slice %arg3[%mul3A_2, %dma_wait3A] : memref<3328x128xi32, #tpu.memory_space<hbm>> -> memref<104x128xi32, #tpu.memory_space<hbm>>
      %dma_wait3A_134 = arith.constant 0 : i32
      %dma_wait3A_135 = tpu.memref_slice %arg3[%mul3A_2, %dma_wait3A_134] : memref<3328x128xi32, #tpu.memory_space<hbm>> -> memref<104x128xi32, #tpu.memory_space<hbm>>
      tpu.wait_dma2 semaphore(%run_scoped3A : memref<!tpu.dma_semaphore, #tpu.memory_space<semaphore_mem>>) src(%dma_wait3A_135 : memref<104x128xi32, #tpu.memory_space<hbm>>) dst(%arg5 : memref<104x128xi32, #tpu.memory_space<vmem>>)
      tpu.yield
    }) : () -> ()
    %dma_start3A = arith.constant 0 : i32
    %dma_start3A_5 = arith.constant 0 : i32
    %dma_start3A_6 = arith.constant 0 : i32
    %dma_start3A_7 = arith.constant 0 : i32
    %dma_start3A_8 = arith.constant 0 : i32
    %dma_start3A_9 = tpu.memref_slice %arg6[%dma_start3A_5, %dma_start3A_7, %dma_start3A_8] : memref<8x128x64xf32, #tpu.memory_space<vmem>> -> memref<1x128x64xf32, #tpu.memory_space<vmem>>
    %dma_start3A_10 = tpu.memref_squeeze %dma_start3A_9 : memref<1x128x64xf32, #tpu.memory_space<vmem>> -> memref<128x64xf32, #tpu.memory_space<vmem>>
    %dma_start3A_11 = arith.constant 0 : i32
    %dma_start3A_12 = tpu.memref_slice %arg5[%dma_start3A, %dma_start3A_11] : memref<104x128xi32, #tpu.memory_space<vmem>> -> memref<1x128xi32, #tpu.memory_space<vmem>>
    %dma_start3A_13 = tpu.memref_squeeze %dma_start3A_12 : memref<1x128xi32, #tpu.memory_space<vmem>> -> memref<128xi32, #tpu.memory_space<vmem>>
    %dma_start3A_14 = arith.constant 0 : i32
    %dma_start3A_15 = arith.constant 0 : i32
    %dma_start3A_16 = tpu.memref_slice %arg2[%dma_start3A_14, %dma_start3A_15] : memref<2600000x64xf32, #tpu.memory_space<hbm>> -> memref<2600000x64xf32, #tpu.memory_space<hbm>>
    %dma_start3A_17 = tpu.memref_slice %arg7[%dma_start3A_6] : memref<8x!tpu.dma_semaphore, #tpu.memory_space<semaphore_mem>> -> memref<1x!tpu.dma_semaphore, #tpu.memory_space<semaphore_mem>>
    %dma_start3A_18 = tpu.memref_squeeze %dma_start3A_17 : memref<1x!tpu.dma_semaphore, #tpu.memory_space<semaphore_mem>> -> memref<!tpu.dma_semaphore, #tpu.memory_space<semaphore_mem>>
    tpu.enqueue_indirect_dma source(%dma_start3A_16 : memref<2600000x64xf32, #tpu.memory_space<hbm>>) target(%dma_start3A_10 : memref<128x64xf32, #tpu.memory_space<vmem>>) offsets(%dma_start3A_13 : memref<128xi32, #tpu.memory_space<vmem>>) semaphore(%dma_start3A_18 : memref<!tpu.dma_semaphore, #tpu.memory_space<semaphore_mem>>)
    %dma_start3A_19 = arith.constant 1 : i32
    %dma_start3A_20 = arith.constant 1 : i32
    %dma_start3A_21 = arith.constant 1 : i32
    %dma_start3A_22 = arith.constant 0 : i32
    %dma_start3A_23 = arith.constant 0 : i32
    %dma_start3A_24 = tpu.memref_slice %arg6[%dma_start3A_20, %dma_start3A_22, %dma_start3A_23] : memref<8x128x64xf32, #tpu.memory_space<vmem>> -> memref<1x128x64xf32, #tpu.memory_space<vmem>>
    %dma_start3A_25 = tpu.memref_squeeze %dma_start3A_24 : memref<1x128x64xf32, #tpu.memory_space<vmem>> -> memref<128x64xf32, #tpu.memory_space<vmem>>
    %dma_start3A_26 = arith.constant 0 : i32
    %dma_start3A_27 = tpu.memref_slice %arg5[%dma_start3A_19, %dma_start3A_26] : memref<104x128xi32, #tpu.memory_space<vmem>> -> memref<1x128xi32, #tpu.memory_space<vmem>>
    %dma_start3A_28 = tpu.memref_squeeze %dma_start3A_27 : memref<1x128xi32, #tpu.memory_space<vmem>> -> memref<128xi32, #tpu.memory_space<vmem>>
    %dma_start3A_29 = arith.constant 0 : i32
    %dma_start3A_30 = arith.constant 0 : i32
    %dma_start3A_31 = tpu.memref_slice %arg2[%dma_start3A_29, %dma_start3A_30] : memref<2600000x64xf32, #tpu.memory_space<hbm>> -> memref<2600000x64xf32, #tpu.memory_space<hbm>>
    %dma_start3A_32 = tpu.memref_slice %arg7[%dma_start3A_21] : memref<8x!tpu.dma_semaphore, #tpu.memory_space<semaphore_mem>> -> memref<1x!tpu.dma_semaphore, #tpu.memory_space<semaphore_mem>>
    %dma_start3A_33 = tpu.memref_squeeze %dma_start3A_32 : memref<1x!tpu.dma_semaphore, #tpu.memory_space<semaphore_mem>> -> memref<!tpu.dma_semaphore, #tpu.memory_space<semaphore_mem>>
    tpu.enqueue_indirect_dma source(%dma_start3A_31 : memref<2600000x64xf32, #tpu.memory_space<hbm>>) target(%dma_start3A_25 : memref<128x64xf32, #tpu.memory_space<vmem>>) offsets(%dma_start3A_28 : memref<128xi32, #tpu.memory_space<vmem>>) semaphore(%dma_start3A_33 : memref<!tpu.dma_semaphore, #tpu.memory_space<semaphore_mem>>)
    %dma_start3A_34 = arith.constant 2 : i32
    %dma_start3A_35 = arith.constant 2 : i32
    %dma_start3A_36 = arith.constant 2 : i32
    %dma_start3A_37 = arith.constant 0 : i32
    %dma_start3A_38 = arith.constant 0 : i32
    %dma_start3A_39 = tpu.memref_slice %arg6[%dma_start3A_35, %dma_start3A_37, %dma_start3A_38] : memref<8x128x64xf32, #tpu.memory_space<vmem>> -> memref<1x128x64xf32, #tpu.memory_space<vmem>>
    %dma_start3A_40 = tpu.memref_squeeze %dma_start3A_39 : memref<1x128x64xf32, #tpu.memory_space<vmem>> -> memref<128x64xf32, #tpu.memory_space<vmem>>
    %dma_start3A_41 = arith.constant 0 : i32
    %dma_start3A_42 = tpu.memref_slice %arg5[%dma_start3A_34, %dma_start3A_41] : memref<104x128xi32, #tpu.memory_space<vmem>> -> memref<1x128xi32, #tpu.memory_space<vmem>>
    %dma_start3A_43 = tpu.memref_squeeze %dma_start3A_42 : memref<1x128xi32, #tpu.memory_space<vmem>> -> memref<128xi32, #tpu.memory_space<vmem>>
    %dma_start3A_44 = arith.constant 0 : i32
    %dma_start3A_45 = arith.constant 0 : i32
    %dma_start3A_46 = tpu.memref_slice %arg2[%dma_start3A_44, %dma_start3A_45] : memref<2600000x64xf32, #tpu.memory_space<hbm>> -> memref<2600000x64xf32, #tpu.memory_space<hbm>>
    %dma_start3A_47 = tpu.memref_slice %arg7[%dma_start3A_36] : memref<8x!tpu.dma_semaphore, #tpu.memory_space<semaphore_mem>> -> memref<1x!tpu.dma_semaphore, #tpu.memory_space<semaphore_mem>>
    %dma_start3A_48 = tpu.memref_squeeze %dma_start3A_47 : memref<1x!tpu.dma_semaphore, #tpu.memory_space<semaphore_mem>> -> memref<!tpu.dma_semaphore, #tpu.memory_space<semaphore_mem>>
    tpu.enqueue_indirect_dma source(%dma_start3A_46 : memref<2600000x64xf32, #tpu.memory_space<hbm>>) target(%dma_start3A_40 : memref<128x64xf32, #tpu.memory_space<vmem>>) offsets(%dma_start3A_43 : memref<128xi32, #tpu.memory_space<vmem>>) semaphore(%dma_start3A_48 : memref<!tpu.dma_semaphore, #tpu.memory_space<semaphore_mem>>)
    %dma_start3A_49 = arith.constant 3 : i32
    %dma_start3A_50 = arith.constant 3 : i32
    %dma_start3A_51 = arith.constant 3 : i32
    %dma_start3A_52 = arith.constant 0 : i32
    %dma_start3A_53 = arith.constant 0 : i32
    %dma_start3A_54 = tpu.memref_slice %arg6[%dma_start3A_50, %dma_start3A_52, %dma_start3A_53] : memref<8x128x64xf32, #tpu.memory_space<vmem>> -> memref<1x128x64xf32, #tpu.memory_space<vmem>>
    %dma_start3A_55 = tpu.memref_squeeze %dma_start3A_54 : memref<1x128x64xf32, #tpu.memory_space<vmem>> -> memref<128x64xf32, #tpu.memory_space<vmem>>
    %dma_start3A_56 = arith.constant 0 : i32
    %dma_start3A_57 = tpu.memref_slice %arg5[%dma_start3A_49, %dma_start3A_56] : memref<104x128xi32, #tpu.memory_space<vmem>> -> memref<1x128xi32, #tpu.memory_space<vmem>>
    %dma_start3A_58 = tpu.memref_squeeze %dma_start3A_57 : memref<1x128xi32, #tpu.memory_space<vmem>> -> memref<128xi32, #tpu.memory_space<vmem>>
    %dma_start3A_59 = arith.constant 0 : i32
    %dma_start3A_60 = arith.constant 0 : i32
    %dma_start3A_61 = tpu.memref_slice %arg2[%dma_start3A_59, %dma_start3A_60] : memref<2600000x64xf32, #tpu.memory_space<hbm>> -> memref<2600000x64xf32, #tpu.memory_space<hbm>>
    %dma_start3A_62 = tpu.memref_slice %arg7[%dma_start3A_51] : memref<8x!tpu.dma_semaphore, #tpu.memory_space<semaphore_mem>> -> memref<1x!tpu.dma_semaphore, #tpu.memory_space<semaphore_mem>>
    %dma_start3A_63 = tpu.memref_squeeze %dma_start3A_62 : memref<1x!tpu.dma_semaphore, #tpu.memory_space<semaphore_mem>> -> memref<!tpu.dma_semaphore, #tpu.memory_space<semaphore_mem>>
    tpu.enqueue_indirect_dma source(%dma_start3A_61 : memref<2600000x64xf32, #tpu.memory_space<hbm>>) target(%dma_start3A_55 : memref<128x64xf32, #tpu.memory_space<vmem>>) offsets(%dma_start3A_58 : memref<128xi32, #tpu.memory_space<vmem>>) semaphore(%dma_start3A_63 : memref<!tpu.dma_semaphore, #tpu.memory_space<semaphore_mem>>)
    %dma_start3A_64 = arith.constant 4 : i32
    %dma_start3A_65 = arith.constant 4 : i32
    %dma_start3A_66 = arith.constant 4 : i32
    %dma_start3A_67 = arith.constant 0 : i32
    %dma_start3A_68 = arith.constant 0 : i32
    %dma_start3A_69 = tpu.memref_slice %arg6[%dma_start3A_65, %dma_start3A_67, %dma_start3A_68] : memref<8x128x64xf32, #tpu.memory_space<vmem>> -> memref<1x128x64xf32, #tpu.memory_space<vmem>>
    %dma_start3A_70 = tpu.memref_squeeze %dma_start3A_69 : memref<1x128x64xf32, #tpu.memory_space<vmem>> -> memref<128x64xf32, #tpu.memory_space<vmem>>
    %dma_start3A_71 = arith.constant 0 : i32
    %dma_start3A_72 = tpu.memref_slice %arg5[%dma_start3A_64, %dma_start3A_71] : memref<104x128xi32, #tpu.memory_space<vmem>> -> memref<1x128xi32, #tpu.memory_space<vmem>>
    %dma_start3A_73 = tpu.memref_squeeze %dma_start3A_72 : memref<1x128xi32, #tpu.memory_space<vmem>> -> memref<128xi32, #tpu.memory_space<vmem>>
    %dma_start3A_74 = arith.constant 0 : i32
    %dma_start3A_75 = arith.constant 0 : i32
    %dma_start3A_76 = tpu.memref_slice %arg2[%dma_start3A_74, %dma_start3A_75] : memref<2600000x64xf32, #tpu.memory_space<hbm>> -> memref<2600000x64xf32, #tpu.memory_space<hbm>>
    %dma_start3A_77 = tpu.memref_slice %arg7[%dma_start3A_66] : memref<8x!tpu.dma_semaphore, #tpu.memory_space<semaphore_mem>> -> memref<1x!tpu.dma_semaphore, #tpu.memory_space<semaphore_mem>>
    %dma_start3A_78 = tpu.memref_squeeze %dma_start3A_77 : memref<1x!tpu.dma_semaphore, #tpu.memory_space<semaphore_mem>> -> memref<!tpu.dma_semaphore, #tpu.memory_space<semaphore_mem>>
    tpu.enqueue_indirect_dma source(%dma_start3A_76 : memref<2600000x64xf32, #tpu.memory_space<hbm>>) target(%dma_start3A_70 : memref<128x64xf32, #tpu.memory_space<vmem>>) offsets(%dma_start3A_73 : memref<128xi32, #tpu.memory_space<vmem>>) semaphore(%dma_start3A_78 : memref<!tpu.dma_semaphore, #tpu.memory_space<semaphore_mem>>)
    %dma_start3A_79 = arith.constant 5 : i32
    %dma_start3A_80 = arith.constant 5 : i32
    %dma_start3A_81 = arith.constant 5 : i32
    %dma_start3A_82 = arith.constant 0 : i32
    %dma_start3A_83 = arith.constant 0 : i32
    %dma_start3A_84 = tpu.memref_slice %arg6[%dma_start3A_80, %dma_start3A_82, %dma_start3A_83] : memref<8x128x64xf32, #tpu.memory_space<vmem>> -> memref<1x128x64xf32, #tpu.memory_space<vmem>>
    %dma_start3A_85 = tpu.memref_squeeze %dma_start3A_84 : memref<1x128x64xf32, #tpu.memory_space<vmem>> -> memref<128x64xf32, #tpu.memory_space<vmem>>
    %dma_start3A_86 = arith.constant 0 : i32
    %dma_start3A_87 = tpu.memref_slice %arg5[%dma_start3A_79, %dma_start3A_86] : memref<104x128xi32, #tpu.memory_space<vmem>> -> memref<1x128xi32, #tpu.memory_space<vmem>>
    %dma_start3A_88 = tpu.memref_squeeze %dma_start3A_87 : memref<1x128xi32, #tpu.memory_space<vmem>> -> memref<128xi32, #tpu.memory_space<vmem>>
    %dma_start3A_89 = arith.constant 0 : i32
    %dma_start3A_90 = arith.constant 0 : i32
    %dma_start3A_91 = tpu.memref_slice %arg2[%dma_start3A_89, %dma_start3A_90] : memref<2600000x64xf32, #tpu.memory_space<hbm>> -> memref<2600000x64xf32, #tpu.memory_space<hbm>>
    %dma_start3A_92 = tpu.memref_slice %arg7[%dma_start3A_81] : memref<8x!tpu.dma_semaphore, #tpu.memory_space<semaphore_mem>> -> memref<1x!tpu.dma_semaphore, #tpu.memory_space<semaphore_mem>>
    %dma_start3A_93 = tpu.memref_squeeze %dma_start3A_92 : memref<1x!tpu.dma_semaphore, #tpu.memory_space<semaphore_mem>> -> memref<!tpu.dma_semaphore, #tpu.memory_space<semaphore_mem>>
    tpu.enqueue_indirect_dma source(%dma_start3A_91 : memref<2600000x64xf32, #tpu.memory_space<hbm>>) target(%dma_start3A_85 : memref<128x64xf32, #tpu.memory_space<vmem>>) offsets(%dma_start3A_88 : memref<128xi32, #tpu.memory_space<vmem>>) semaphore(%dma_start3A_93 : memref<!tpu.dma_semaphore, #tpu.memory_space<semaphore_mem>>)
    %dma_start3A_94 = arith.constant 6 : i32
    %dma_start3A_95 = arith.constant 6 : i32
    %dma_start3A_96 = arith.constant 6 : i32
    %dma_start3A_97 = arith.constant 0 : i32
    %dma_start3A_98 = arith.constant 0 : i32
    %dma_start3A_99 = tpu.memref_slice %arg6[%dma_start3A_95, %dma_start3A_97, %dma_start3A_98] : memref<8x128x64xf32, #tpu.memory_space<vmem>> -> memref<1x128x64xf32, #tpu.memory_space<vmem>>
    %dma_start3A_100 = tpu.memref_squeeze %dma_start3A_99 : memref<1x128x64xf32, #tpu.memory_space<vmem>> -> memref<128x64xf32, #tpu.memory_space<vmem>>
    %dma_start3A_101 = arith.constant 0 : i32
    %dma_start3A_102 = tpu.memref_slice %arg5[%dma_start3A_94, %dma_start3A_101] : memref<104x128xi32, #tpu.memory_space<vmem>> -> memref<1x128xi32, #tpu.memory_space<vmem>>
    %dma_start3A_103 = tpu.memref_squeeze %dma_start3A_102 : memref<1x128xi32, #tpu.memory_space<vmem>> -> memref<128xi32, #tpu.memory_space<vmem>>
    %dma_start3A_104 = arith.constant 0 : i32
    %dma_start3A_105 = arith.constant 0 : i32
    %dma_start3A_106 = tpu.memref_slice %arg2[%dma_start3A_104, %dma_start3A_105] : memref<2600000x64xf32, #tpu.memory_space<hbm>> -> memref<2600000x64xf32, #tpu.memory_space<hbm>>
    %dma_start3A_107 = tpu.memref_slice %arg7[%dma_start3A_96] : memref<8x!tpu.dma_semaphore, #tpu.memory_space<semaphore_mem>> -> memref<1x!tpu.dma_semaphore, #tpu.memory_space<semaphore_mem>>
    %dma_start3A_108 = tpu.memref_squeeze %dma_start3A_107 : memref<1x!tpu.dma_semaphore, #tpu.memory_space<semaphore_mem>> -> memref<!tpu.dma_semaphore, #tpu.memory_space<semaphore_mem>>
    tpu.enqueue_indirect_dma source(%dma_start3A_106 : memref<2600000x64xf32, #tpu.memory_space<hbm>>) target(%dma_start3A_100 : memref<128x64xf32, #tpu.memory_space<vmem>>) offsets(%dma_start3A_103 : memref<128xi32, #tpu.memory_space<vmem>>) semaphore(%dma_start3A_108 : memref<!tpu.dma_semaphore, #tpu.memory_space<semaphore_mem>>)
    %dma_start3A_109 = arith.constant 7 : i32
    %dma_start3A_110 = arith.constant 7 : i32
    %dma_start3A_111 = arith.constant 7 : i32
    %dma_start3A_112 = arith.constant 0 : i32
    %dma_start3A_113 = arith.constant 0 : i32
    %dma_start3A_114 = tpu.memref_slice %arg6[%dma_start3A_110, %dma_start3A_112, %dma_start3A_113] : memref<8x128x64xf32, #tpu.memory_space<vmem>> -> memref<1x128x64xf32, #tpu.memory_space<vmem>>
    %dma_start3A_115 = tpu.memref_squeeze %dma_start3A_114 : memref<1x128x64xf32, #tpu.memory_space<vmem>> -> memref<128x64xf32, #tpu.memory_space<vmem>>
    %dma_start3A_116 = arith.constant 0 : i32
    %dma_start3A_117 = tpu.memref_slice %arg5[%dma_start3A_109, %dma_start3A_116] : memref<104x128xi32, #tpu.memory_space<vmem>> -> memref<1x128xi32, #tpu.memory_space<vmem>>
    %dma_start3A_118 = tpu.memref_squeeze %dma_start3A_117 : memref<1x128xi32, #tpu.memory_space<vmem>> -> memref<128xi32, #tpu.memory_space<vmem>>
    %dma_start3A_119 = arith.constant 0 : i32
    %dma_start3A_120 = arith.constant 0 : i32
    %dma_start3A_121 = tpu.memref_slice %arg2[%dma_start3A_119, %dma_start3A_120] : memref<2600000x64xf32, #tpu.memory_space<hbm>> -> memref<2600000x64xf32, #tpu.memory_space<hbm>>
    %dma_start3A_122 = tpu.memref_slice %arg7[%dma_start3A_111] : memref<8x!tpu.dma_semaphore, #tpu.memory_space<semaphore_mem>> -> memref<1x!tpu.dma_semaphore, #tpu.memory_space<semaphore_mem>>
    %dma_start3A_123 = tpu.memref_squeeze %dma_start3A_122 : memref<1x!tpu.dma_semaphore, #tpu.memory_space<semaphore_mem>> -> memref<!tpu.dma_semaphore, #tpu.memory_space<semaphore_mem>>
    tpu.enqueue_indirect_dma source(%dma_start3A_121 : memref<2600000x64xf32, #tpu.memory_space<hbm>>) target(%dma_start3A_115 : memref<128x64xf32, #tpu.memory_space<vmem>>) offsets(%dma_start3A_118 : memref<128xi32, #tpu.memory_space<vmem>>) semaphore(%dma_start3A_123 : memref<!tpu.dma_semaphore, #tpu.memory_space<semaphore_mem>>)
    %scan3A = arith.constant 0 : i32
    %scan3A_124 = arith.constant 0 : i32
    %scan3A_125 = arith.constant 13 : i32
    %scan3A_126 = arith.addi %scan3A_124, %scan3A_125 : i32
    %scan3A_127 = arith.constant 1 : i32
    scf.for %scan3A_129 = %scan3A_124 to %scan3A_126 step %scan3A_127  : i32 {
      %mul3A_130 = arith.constant 8 : i32
      %mul3A_131 = arith.muli %scan3A_129, %mul3A_130 : i32
      %add3A_132 = arith.constant 0 : i32
      %add3A_133 = arith.addi %mul3A_131, %add3A_132 : i32
      %dma_wait3A = arith.constant 0 : i32
      %dma_wait3A_134 = arith.constant 0 : i32
      %dma_wait3A_135 = arith.constant 0 : i32
      %dma_wait3A_136 = arith.constant 0 : i32
      %dma_wait3A_137 = tpu.memref_slice %arg6[%dma_wait3A, %dma_wait3A_135, %dma_wait3A_136] : memref<8x128x64xf32, #tpu.memory_space<vmem>> -> memref<1x128x64xf32, #tpu.memory_space<vmem>>
      %dma_wait3A_138 = tpu.memref_squeeze %dma_wait3A_137 : memref<1x128x64xf32, #tpu.memory_space<vmem>> -> memref<128x64xf32, #tpu.memory_space<vmem>>
      %dma_wait3A_139 = arith.constant 0 : i32
      %dma_wait3A_140 = tpu.memref_slice %arg5[%add3A_133, %dma_wait3A_139] : memref<104x128xi32, #tpu.memory_space<vmem>> -> memref<1x128xi32, #tpu.memory_space<vmem>>
      %dma_wait3A_141 = tpu.memref_squeeze %dma_wait3A_140 : memref<1x128xi32, #tpu.memory_space<vmem>> -> memref<128xi32, #tpu.memory_space<vmem>>
      %dma_wait3A_142 = arith.constant 0 : i32
      %dma_wait3A_143 = arith.constant 0 : i32
      %dma_wait3A_144 = tpu.memref_slice %arg2[%dma_wait3A_142, %dma_wait3A_143] : memref<2600000x64xf32, #tpu.memory_space<hbm>> -> memref<2600000x64xf32, #tpu.memory_space<hbm>>
      %dma_wait3A_145 = tpu.memref_slice %arg7[%dma_wait3A_134] : memref<8x!tpu.dma_semaphore, #tpu.memory_space<semaphore_mem>> -> memref<1x!tpu.dma_semaphore, #tpu.memory_space<semaphore_mem>>
      %dma_wait3A_146 = tpu.memref_squeeze %dma_wait3A_145 : memref<1x!tpu.dma_semaphore, #tpu.memory_space<semaphore_mem>> -> memref<!tpu.dma_semaphore, #tpu.memory_space<semaphore_mem>>
      tpu.wait_indirect_dma semaphore(%dma_wait3A_146 : memref<!tpu.dma_semaphore, #tpu.memory_space<semaphore_mem>>) src(%dma_wait3A_144 : memref<2600000x64xf32, #tpu.memory_space<hbm>>) dst(%dma_wait3A_138 : memref<128x64xf32, #tpu.memory_space<vmem>>)
      %mul3A_147 = arith.constant 128 : i32
      %mul3A_148 = arith.muli %add3A_133, %mul3A_147 : i32
      %add3A_149 = arith.addi %mul3A_4, %mul3A_148 : i32
      %run_scoped3A = arith.constant 0 : i32
      "tpu.region"() ({
        %run_scoped3A_341 = tpu.sem_alloc : memref<!tpu.dma_semaphore, #tpu.memory_space<semaphore_mem>>
        %dma_start3A_342 = arith.constant 0 : i32
        %dma_start3A_343 = arith.constant 0 : i32
        %dma_start3A_344 = tpu.memref_slice %arg6[%run_scoped3A, %dma_start3A_342, %dma_start3A_343] : memref<8x128x64xf32, #tpu.memory_space<vmem>> -> memref<1x128x64xf32, #tpu.memory_space<vmem>>
        %dma_start3A_345 = tpu.memref_squeeze %dma_start3A_344 : memref<1x128x64xf32, #tpu.memory_space<vmem>> -> memref<128x64xf32, #tpu.memory_space<vmem>>
        %dma_start3A_346 = arith.constant 0 : i32
        %dma_start3A_347 = tpu.memref_slice %arg4[%add3A_149, %dma_start3A_346] : memref<425984x64xf32, #tpu.memory_space<hbm>> -> memref<128x64xf32, #tpu.memory_space<hbm>>
        %dma_start3A_348 = arith.constant 0 : i32
        %dma_start3A_349 = tpu.memref_slice %arg4[%add3A_149, %dma_start3A_348] : memref<425984x64xf32, #tpu.memory_space<hbm>> -> memref<128x64xf32, #tpu.memory_space<hbm>>
        %dma_start3A_350 = arith.constant 0 : i32
        %dma_start3A_351 = arith.constant 0 : i32
        %dma_start3A_352 = tpu.memref_slice %arg6[%run_scoped3A, %dma_start3A_350, %dma_start3A_351] : memref<8x128x64xf32, #tpu.memory_space<vmem>> -> memref<1x128x64xf32, #tpu.memory_space<vmem>>
        %dma_start3A_353 = tpu.memref_squeeze %dma_start3A_352 : memref<1x128x64xf32, #tpu.memory_space<vmem>> -> memref<128x64xf32, #tpu.memory_space<vmem>>
        tpu.enqueue_dma source(%dma_start3A_353 : memref<128x64xf32, #tpu.memory_space<vmem>>) target(%dma_start3A_349 : memref<128x64xf32, #tpu.memory_space<hbm>>) target_semaphore(%run_scoped3A_341 : memref<!tpu.dma_semaphore, #tpu.memory_space<semaphore_mem>>)
        %dma_wait3A_354 = arith.constant 0 : i32
        %dma_wait3A_355 = arith.constant 0 : i32
        %dma_wait3A_356 = tpu.memref_slice %arg6[%run_scoped3A, %dma_wait3A_354, %dma_wait3A_355] : memref<8x128x64xf32, #tpu.memory_space<vmem>> -> memref<1x128x64xf32, #tpu.memory_space<vmem>>
        %dma_wait3A_357 = tpu.memref_squeeze %dma_wait3A_356 : memref<1x128x64xf32, #tpu.memory_space<vmem>> -> memref<128x64xf32, #tpu.memory_space<vmem>>
        %dma_wait3A_358 = arith.constant 0 : i32
        %dma_wait3A_359 = tpu.memref_slice %arg4[%add3A_149, %dma_wait3A_358] : memref<425984x64xf32, #tpu.memory_space<hbm>> -> memref<128x64xf32, #tpu.memory_space<hbm>>
        %dma_wait3A_360 = arith.constant 0 : i32
        %dma_wait3A_361 = tpu.memref_slice %arg4[%add3A_149, %dma_wait3A_360] : memref<425984x64xf32, #tpu.memory_space<hbm>> -> memref<128x64xf32, #tpu.memory_space<hbm>>
        %dma_wait3A_362 = arith.constant 0 : i32
        %dma_wait3A_363 = arith.constant 0 : i32
        %dma_wait3A_364 = tpu.memref_slice %arg6[%run_scoped3A, %dma_wait3A_362, %dma_wait3A_363] : memref<8x128x64xf32, #tpu.memory_space<vmem>> -> memref<1x128x64xf32, #tpu.memory_space<vmem>>
        %dma_wait3A_365 = tpu.memref_squeeze %dma_wait3A_364 : memref<1x128x64xf32, #tpu.memory_space<vmem>> -> memref<128x64xf32, #tpu.memory_space<vmem>>
        tpu.wait_dma2 semaphore(%run_scoped3A_341 : memref<!tpu.dma_semaphore, #tpu.memory_space<semaphore_mem>>) src(%dma_wait3A_365 : memref<128x64xf32, #tpu.memory_space<vmem>>) dst(%dma_wait3A_361 : memref<128x64xf32, #tpu.memory_space<hbm>>)
        tpu.yield
      }) : () -> ()
      %lt3A = arith.constant 12 : i32
      %lt3A_150 = arith.cmpi slt, %scan3A_129, %lt3A : i32
      %convert_element_type3A = arith.extui %lt3A_150 : i1 to i32
      %cond3A = arith.constant 0 : i32
      %cond3A_151 = arith.cmpi ne, %convert_element_type3A, %cond3A : i32
      scf.if %cond3A_151 {
        %add3A_341 = arith.constant 8 : i32
        %add3A_342 = arith.addi %add3A_133, %add3A_341 : i32
        %dma_start3A_343 = arith.constant 0 : i32
        %dma_start3A_344 = arith.constant 0 : i32
        %dma_start3A_345 = arith.constant 0 : i32
        %dma_start3A_346 = arith.constant 0 : i32
        %dma_start3A_347 = tpu.memref_slice %arg6[%dma_start3A_343, %dma_start3A_345, %dma_start3A_346] : memref<8x128x64xf32, #tpu.memory_space<vmem>> -> memref<1x128x64xf32, #tpu.memory_space<vmem>>
        %dma_start3A_348 = tpu.memref_squeeze %dma_start3A_347 : memref<1x128x64xf32, #tpu.memory_space<vmem>> -> memref<128x64xf32, #tpu.memory_space<vmem>>
        %dma_start3A_349 = arith.constant 0 : i32
        %dma_start3A_350 = tpu.memref_slice %arg5[%add3A_342, %dma_start3A_349] : memref<104x128xi32, #tpu.memory_space<vmem>> -> memref<1x128xi32, #tpu.memory_space<vmem>>
        %dma_start3A_351 = tpu.memref_squeeze %dma_start3A_350 : memref<1x128xi32, #tpu.memory_space<vmem>> -> memref<128xi32, #tpu.memory_space<vmem>>
        %dma_start3A_352 = arith.constant 0 : i32
        %dma_start3A_353 = arith.constant 0 : i32
        %dma_start3A_354 = tpu.memref_slice %arg2[%dma_start3A_352, %dma_start3A_353] : memref<2600000x64xf32, #tpu.memory_space<hbm>> -> memref<2600000x64xf32, #tpu.memory_space<hbm>>
        %dma_start3A_355 = tpu.memref_slice %arg7[%dma_start3A_344] : memref<8x!tpu.dma_semaphore, #tpu.memory_space<semaphore_mem>> -> memref<1x!tpu.dma_semaphore, #tpu.memory_space<semaphore_mem>>
        %dma_start3A_356 = tpu.memref_squeeze %dma_start3A_355 : memref<1x!tpu.dma_semaphore, #tpu.memory_space<semaphore_mem>> -> memref<!tpu.dma_semaphore, #tpu.memory_space<semaphore_mem>>
        tpu.enqueue_indirect_dma source(%dma_start3A_354 : memref<2600000x64xf32, #tpu.memory_space<hbm>>) target(%dma_start3A_348 : memref<128x64xf32, #tpu.memory_space<vmem>>) offsets(%dma_start3A_351 : memref<128xi32, #tpu.memory_space<vmem>>) semaphore(%dma_start3A_356 : memref<!tpu.dma_semaphore, #tpu.memory_space<semaphore_mem>>)
      } else {
      }
      %mul3A_152 = arith.constant 8 : i32
      %mul3A_153 = arith.muli %scan3A_129, %mul3A_152 : i32
      %add3A_154 = arith.constant 1 : i32
      %add3A_155 = arith.addi %mul3A_153, %add3A_154 : i32
      %dma_wait3A_156 = arith.constant 1 : i32
      %dma_wait3A_157 = arith.constant 1 : i32
      %dma_wait3A_158 = arith.constant 0 : i32
      %dma_wait3A_159 = arith.constant 0 : i32
      %dma_wait3A_160 = tpu.memref_slice %arg6[%dma_wait3A_156, %dma_wait3A_158, %dma_wait3A_159] : memref<8x128x64xf32, #tpu.memory_space<vmem>> -> memref<1x128x64xf32, #tpu.memory_space<vmem>>
      %dma_wait3A_161 = tpu.memref_squeeze %dma_wait3A_160 : memref<1x128x64xf32, #tpu.memory_space<vmem>> -> memref<128x64xf32, #tpu.memory_space<vmem>>
      %dma_wait3A_162 = arith.constant 0 : i32
      %dma_wait3A_163 = tpu.memref_slice %arg5[%add3A_155, %dma_wait3A_162] : memref<104x128xi32, #tpu.memory_space<vmem>> -> memref<1x128xi32, #tpu.memory_space<vmem>>
      %dma_wait3A_164 = tpu.memref_squeeze %dma_wait3A_163 : memref<1x128xi32, #tpu.memory_space<vmem>> -> memref<128xi32, #tpu.memory_space<vmem>>
      %dma_wait3A_165 = arith.constant 0 : i32
      %dma_wait3A_166 = arith.constant 0 : i32
      %dma_wait3A_167 = tpu.memref_slice %arg2[%dma_wait3A_165, %dma_wait3A_166] : memref<2600000x64xf32, #tpu.memory_space<hbm>> -> memref<2600000x64xf32, #tpu.memory_space<hbm>>
      %dma_wait3A_168 = tpu.memref_slice %arg7[%dma_wait3A_157] : memref<8x!tpu.dma_semaphore, #tpu.memory_space<semaphore_mem>> -> memref<1x!tpu.dma_semaphore, #tpu.memory_space<semaphore_mem>>
      %dma_wait3A_169 = tpu.memref_squeeze %dma_wait3A_168 : memref<1x!tpu.dma_semaphore, #tpu.memory_space<semaphore_mem>> -> memref<!tpu.dma_semaphore, #tpu.memory_space<semaphore_mem>>
      tpu.wait_indirect_dma semaphore(%dma_wait3A_169 : memref<!tpu.dma_semaphore, #tpu.memory_space<semaphore_mem>>) src(%dma_wait3A_167 : memref<2600000x64xf32, #tpu.memory_space<hbm>>) dst(%dma_wait3A_161 : memref<128x64xf32, #tpu.memory_space<vmem>>)
      %mul3A_170 = arith.constant 128 : i32
      %mul3A_171 = arith.muli %add3A_155, %mul3A_170 : i32
      %add3A_172 = arith.addi %mul3A_4, %mul3A_171 : i32
      %run_scoped3A_173 = arith.constant 1 : i32
      "tpu.region"() ({
        %run_scoped3A_341 = tpu.sem_alloc : memref<!tpu.dma_semaphore, #tpu.memory_space<semaphore_mem>>
        %dma_start3A_342 = arith.constant 0 : i32
        %dma_start3A_343 = arith.constant 0 : i32
        %dma_start3A_344 = tpu.memref_slice %arg6[%run_scoped3A_173, %dma_start3A_342, %dma_start3A_343] : memref<8x128x64xf32, #tpu.memory_space<vmem>> -> memref<1x128x64xf32, #tpu.memory_space<vmem>>
        %dma_start3A_345 = tpu.memref_squeeze %dma_start3A_344 : memref<1x128x64xf32, #tpu.memory_space<vmem>> -> memref<128x64xf32, #tpu.memory_space<vmem>>
        %dma_start3A_346 = arith.constant 0 : i32
        %dma_start3A_347 = tpu.memref_slice %arg4[%add3A_172, %dma_start3A_346] : memref<425984x64xf32, #tpu.memory_space<hbm>> -> memref<128x64xf32, #tpu.memory_space<hbm>>
        %dma_start3A_348 = arith.constant 0 : i32
        %dma_start3A_349 = tpu.memref_slice %arg4[%add3A_172, %dma_start3A_348] : memref<425984x64xf32, #tpu.memory_space<hbm>> -> memref<128x64xf32, #tpu.memory_space<hbm>>
        %dma_start3A_350 = arith.constant 0 : i32
        %dma_start3A_351 = arith.constant 0 : i32
        %dma_start3A_352 = tpu.memref_slice %arg6[%run_scoped3A_173, %dma_start3A_350, %dma_start3A_351] : memref<8x128x64xf32, #tpu.memory_space<vmem>> -> memref<1x128x64xf32, #tpu.memory_space<vmem>>
        %dma_start3A_353 = tpu.memref_squeeze %dma_start3A_352 : memref<1x128x64xf32, #tpu.memory_space<vmem>> -> memref<128x64xf32, #tpu.memory_space<vmem>>
        tpu.enqueue_dma source(%dma_start3A_353 : memref<128x64xf32, #tpu.memory_space<vmem>>) target(%dma_start3A_349 : memref<128x64xf32, #tpu.memory_space<hbm>>) target_semaphore(%run_scoped3A_341 : memref<!tpu.dma_semaphore, #tpu.memory_space<semaphore_mem>>)
        %dma_wait3A_354 = arith.constant 0 : i32
        %dma_wait3A_355 = arith.constant 0 : i32
        %dma_wait3A_356 = tpu.memref_slice %arg6[%run_scoped3A_173, %dma_wait3A_354, %dma_wait3A_355] : memref<8x128x64xf32, #tpu.memory_space<vmem>> -> memref<1x128x64xf32, #tpu.memory_space<vmem>>
        %dma_wait3A_357 = tpu.memref_squeeze %dma_wait3A_356 : memref<1x128x64xf32, #tpu.memory_space<vmem>> -> memref<128x64xf32, #tpu.memory_space<vmem>>
        %dma_wait3A_358 = arith.constant 0 : i32
        %dma_wait3A_359 = tpu.memref_slice %arg4[%add3A_172, %dma_wait3A_358] : memref<425984x64xf32, #tpu.memory_space<hbm>> -> memref<128x64xf32, #tpu.memory_space<hbm>>
        %dma_wait3A_360 = arith.constant 0 : i32
        %dma_wait3A_361 = tpu.memref_slice %arg4[%add3A_172, %dma_wait3A_360] : memref<425984x64xf32, #tpu.memory_space<hbm>> -> memref<128x64xf32, #tpu.memory_space<hbm>>
        %dma_wait3A_362 = arith.constant 0 : i32
        %dma_wait3A_363 = arith.constant 0 : i32
        %dma_wait3A_364 = tpu.memref_slice %arg6[%run_scoped3A_173, %dma_wait3A_362, %dma_wait3A_363] : memref<8x128x64xf32, #tpu.memory_space<vmem>> -> memref<1x128x64xf32, #tpu.memory_space<vmem>>
        %dma_wait3A_365 = tpu.memref_squeeze %dma_wait3A_364 : memref<1x128x64xf32, #tpu.memory_space<vmem>> -> memref<128x64xf32, #tpu.memory_space<vmem>>
        tpu.wait_dma2 semaphore(%run_scoped3A_341 : memref<!tpu.dma_semaphore, #tpu.memory_space<semaphore_mem>>) src(%dma_wait3A_365 : memref<128x64xf32, #tpu.memory_space<vmem>>) dst(%dma_wait3A_361 : memref<128x64xf32, #tpu.memory_space<hbm>>)
        tpu.yield
      }) : () -> ()
      %lt3A_174 = arith.constant 12 : i32
      %lt3A_175 = arith.cmpi slt, %scan3A_129, %lt3A_174 : i32
      %convert_element_type3A_176 = arith.extui %lt3A_175 : i1 to i32
      %cond3A_177 = arith.constant 0 : i32
      %cond3A_178 = arith.cmpi ne, %convert_element_type3A_176, %cond3A_177 : i32
      scf.if %cond3A_178 {
        %add3A_341 = arith.constant 8 : i32
        %add3A_342 = arith.addi %add3A_155, %add3A_341 : i32
        %dma_start3A_343 = arith.constant 1 : i32
        %dma_start3A_344 = arith.constant 1 : i32
        %dma_start3A_345 = arith.constant 0 : i32
        %dma_start3A_346 = arith.constant 0 : i32
        %dma_start3A_347 = tpu.memref_slice %arg6[%dma_start3A_343, %dma_start3A_345, %dma_start3A_346] : memref<8x128x64xf32, #tpu.memory_space<vmem>> -> memref<1x128x64xf32, #tpu.memory_space<vmem>>
        %dma_start3A_348 = tpu.memref_squeeze %dma_start3A_347 : memref<1x128x64xf32, #tpu.memory_space<vmem>> -> memref<128x64xf32, #tpu.memory_space<vmem>>
        %dma_start3A_349 = arith.constant 0 : i32
        %dma_start3A_350 = tpu.memref_slice %arg5[%add3A_342, %dma_start3A_349] : memref<104x128xi32, #tpu.memory_space<vmem>> -> memref<1x128xi32, #tpu.memory_space<vmem>>
        %dma_start3A_351 = tpu.memref_squeeze %dma_start3A_350 : memref<1x128xi32, #tpu.memory_space<vmem>> -> memref<128xi32, #tpu.memory_space<vmem>>
        %dma_start3A_352 = arith.constant 0 : i32
        %dma_start3A_353 = arith.constant 0 : i32
        %dma_start3A_354 = tpu.memref_slice %arg2[%dma_start3A_352, %dma_start3A_353] : memref<2600000x64xf32, #tpu.memory_space<hbm>> -> memref<2600000x64xf32, #tpu.memory_space<hbm>>
        %dma_start3A_355 = tpu.memref_slice %arg7[%dma_start3A_344] : memref<8x!tpu.dma_semaphore, #tpu.memory_space<semaphore_mem>> -> memref<1x!tpu.dma_semaphore, #tpu.memory_space<semaphore_mem>>
        %dma_start3A_356 = tpu.memref_squeeze %dma_start3A_355 : memref<1x!tpu.dma_semaphore, #tpu.memory_space<semaphore_mem>> -> memref<!tpu.dma_semaphore, #tpu.memory_space<semaphore_mem>>
        tpu.enqueue_indirect_dma source(%dma_start3A_354 : memref<2600000x64xf32, #tpu.memory_space<hbm>>) target(%dma_start3A_348 : memref<128x64xf32, #tpu.memory_space<vmem>>) offsets(%dma_start3A_351 : memref<128xi32, #tpu.memory_space<vmem>>) semaphore(%dma_start3A_356 : memref<!tpu.dma_semaphore, #tpu.memory_space<semaphore_mem>>)
      } else {
      }
      %mul3A_179 = arith.constant 8 : i32
      %mul3A_180 = arith.muli %scan3A_129, %mul3A_179 : i32
      %add3A_181 = arith.constant 2 : i32
      %add3A_182 = arith.addi %mul3A_180, %add3A_181 : i32
      %dma_wait3A_183 = arith.constant 2 : i32
      %dma_wait3A_184 = arith.constant 2 : i32
      %dma_wait3A_185 = arith.constant 0 : i32
      %dma_wait3A_186 = arith.constant 0 : i32
      %dma_wait3A_187 = tpu.memref_slice %arg6[%dma_wait3A_183, %dma_wait3A_185, %dma_wait3A_186] : memref<8x128x64xf32, #tpu.memory_space<vmem>> -> memref<1x128x64xf32, #tpu.memory_space<vmem>>
      %dma_wait3A_188 = tpu.memref_squeeze %dma_wait3A_187 : memref<1x128x64xf32, #tpu.memory_space<vmem>> -> memref<128x64xf32, #tpu.memory_space<vmem>>
      %dma_wait3A_189 = arith.constant 0 : i32
      %dma_wait3A_190 = tpu.memref_slice %arg5[%add3A_182, %dma_wait3A_189] : memref<104x128xi32, #tpu.memory_space<vmem>> -> memref<1x128xi32, #tpu.memory_space<vmem>>
      %dma_wait3A_191 = tpu.memref_squeeze %dma_wait3A_190 : memref<1x128xi32, #tpu.memory_space<vmem>> -> memref<128xi32, #tpu.memory_space<vmem>>
      %dma_wait3A_192 = arith.constant 0 : i32
      %dma_wait3A_193 = arith.constant 0 : i32
      %dma_wait3A_194 = tpu.memref_slice %arg2[%dma_wait3A_192, %dma_wait3A_193] : memref<2600000x64xf32, #tpu.memory_space<hbm>> -> memref<2600000x64xf32, #tpu.memory_space<hbm>>
      %dma_wait3A_195 = tpu.memref_slice %arg7[%dma_wait3A_184] : memref<8x!tpu.dma_semaphore, #tpu.memory_space<semaphore_mem>> -> memref<1x!tpu.dma_semaphore, #tpu.memory_space<semaphore_mem>>
      %dma_wait3A_196 = tpu.memref_squeeze %dma_wait3A_195 : memref<1x!tpu.dma_semaphore, #tpu.memory_space<semaphore_mem>> -> memref<!tpu.dma_semaphore, #tpu.memory_space<semaphore_mem>>
      tpu.wait_indirect_dma semaphore(%dma_wait3A_196 : memref<!tpu.dma_semaphore, #tpu.memory_space<semaphore_mem>>) src(%dma_wait3A_194 : memref<2600000x64xf32, #tpu.memory_space<hbm>>) dst(%dma_wait3A_188 : memref<128x64xf32, #tpu.memory_space<vmem>>)
      %mul3A_197 = arith.constant 128 : i32
      %mul3A_198 = arith.muli %add3A_182, %mul3A_197 : i32
      %add3A_199 = arith.addi %mul3A_4, %mul3A_198 : i32
      %run_scoped3A_200 = arith.constant 2 : i32
      "tpu.region"() ({
        %run_scoped3A_341 = tpu.sem_alloc : memref<!tpu.dma_semaphore, #tpu.memory_space<semaphore_mem>>
        %dma_start3A_342 = arith.constant 0 : i32
        %dma_start3A_343 = arith.constant 0 : i32
        %dma_start3A_344 = tpu.memref_slice %arg6[%run_scoped3A_200, %dma_start3A_342, %dma_start3A_343] : memref<8x128x64xf32, #tpu.memory_space<vmem>> -> memref<1x128x64xf32, #tpu.memory_space<vmem>>
        %dma_start3A_345 = tpu.memref_squeeze %dma_start3A_344 : memref<1x128x64xf32, #tpu.memory_space<vmem>> -> memref<128x64xf32, #tpu.memory_space<vmem>>
        %dma_start3A_346 = arith.constant 0 : i32
        %dma_start3A_347 = tpu.memref_slice %arg4[%add3A_199, %dma_start3A_346] : memref<425984x64xf32, #tpu.memory_space<hbm>> -> memref<128x64xf32, #tpu.memory_space<hbm>>
        %dma_start3A_348 = arith.constant 0 : i32
        %dma_start3A_349 = tpu.memref_slice %arg4[%add3A_199, %dma_start3A_348] : memref<425984x64xf32, #tpu.memory_space<hbm>> -> memref<128x64xf32, #tpu.memory_space<hbm>>
        %dma_start3A_350 = arith.constant 0 : i32
        %dma_start3A_351 = arith.constant 0 : i32
        %dma_start3A_352 = tpu.memref_slice %arg6[%run_scoped3A_200, %dma_start3A_350, %dma_start3A_351] : memref<8x128x64xf32, #tpu.memory_space<vmem>> -> memref<1x128x64xf32, #tpu.memory_space<vmem>>
        %dma_start3A_353 = tpu.memref_squeeze %dma_start3A_352 : memref<1x128x64xf32, #tpu.memory_space<vmem>> -> memref<128x64xf32, #tpu.memory_space<vmem>>
        tpu.enqueue_dma source(%dma_start3A_353 : memref<128x64xf32, #tpu.memory_space<vmem>>) target(%dma_start3A_349 : memref<128x64xf32, #tpu.memory_space<hbm>>) target_semaphore(%run_scoped3A_341 : memref<!tpu.dma_semaphore, #tpu.memory_space<semaphore_mem>>)
        %dma_wait3A_354 = arith.constant 0 : i32
        %dma_wait3A_355 = arith.constant 0 : i32
        %dma_wait3A_356 = tpu.memref_slice %arg6[%run_scoped3A_200, %dma_wait3A_354, %dma_wait3A_355] : memref<8x128x64xf32, #tpu.memory_space<vmem>> -> memref<1x128x64xf32, #tpu.memory_space<vmem>>
        %dma_wait3A_357 = tpu.memref_squeeze %dma_wait3A_356 : memref<1x128x64xf32, #tpu.memory_space<vmem>> -> memref<128x64xf32, #tpu.memory_space<vmem>>
        %dma_wait3A_358 = arith.constant 0 : i32
        %dma_wait3A_359 = tpu.memref_slice %arg4[%add3A_199, %dma_wait3A_358] : memref<425984x64xf32, #tpu.memory_space<hbm>> -> memref<128x64xf32, #tpu.memory_space<hbm>>
        %dma_wait3A_360 = arith.constant 0 : i32
        %dma_wait3A_361 = tpu.memref_slice %arg4[%add3A_199, %dma_wait3A_360] : memref<425984x64xf32, #tpu.memory_space<hbm>> -> memref<128x64xf32, #tpu.memory_space<hbm>>
        %dma_wait3A_362 = arith.constant 0 : i32
        %dma_wait3A_363 = arith.constant 0 : i32
        %dma_wait3A_364 = tpu.memref_slice %arg6[%run_scoped3A_200, %dma_wait3A_362, %dma_wait3A_363] : memref<8x128x64xf32, #tpu.memory_space<vmem>> -> memref<1x128x64xf32, #tpu.memory_space<vmem>>
        %dma_wait3A_365 = tpu.memref_squeeze %dma_wait3A_364 : memref<1x128x64xf32, #tpu.memory_space<vmem>> -> memref<128x64xf32, #tpu.memory_space<vmem>>
        tpu.wait_dma2 semaphore(%run_scoped3A_341 : memref<!tpu.dma_semaphore, #tpu.memory_space<semaphore_mem>>) src(%dma_wait3A_365 : memref<128x64xf32, #tpu.memory_space<vmem>>) dst(%dma_wait3A_361 : memref<128x64xf32, #tpu.memory_space<hbm>>)
        tpu.yield
      }) : () -> ()
      %lt3A_201 = arith.constant 12 : i32
      %lt3A_202 = arith.cmpi slt, %scan3A_129, %lt3A_201 : i32
      %convert_element_type3A_203 = arith.extui %lt3A_202 : i1 to i32
      %cond3A_204 = arith.constant 0 : i32
      %cond3A_205 = arith.cmpi ne, %convert_element_type3A_203, %cond3A_204 : i32
      scf.if %cond3A_205 {
        %add3A_341 = arith.constant 8 : i32
        %add3A_342 = arith.addi %add3A_182, %add3A_341 : i32
        %dma_start3A_343 = arith.constant 2 : i32
        %dma_start3A_344 = arith.constant 2 : i32
        %dma_start3A_345 = arith.constant 0 : i32
        %dma_start3A_346 = arith.constant 0 : i32
        %dma_start3A_347 = tpu.memref_slice %arg6[%dma_start3A_343, %dma_start3A_345, %dma_start3A_346] : memref<8x128x64xf32, #tpu.memory_space<vmem>> -> memref<1x128x64xf32, #tpu.memory_space<vmem>>
        %dma_start3A_348 = tpu.memref_squeeze %dma_start3A_347 : memref<1x128x64xf32, #tpu.memory_space<vmem>> -> memref<128x64xf32, #tpu.memory_space<vmem>>
        %dma_start3A_349 = arith.constant 0 : i32
        %dma_start3A_350 = tpu.memref_slice %arg5[%add3A_342, %dma_start3A_349] : memref<104x128xi32, #tpu.memory_space<vmem>> -> memref<1x128xi32, #tpu.memory_space<vmem>>
        %dma_start3A_351 = tpu.memref_squeeze %dma_start3A_350 : memref<1x128xi32, #tpu.memory_space<vmem>> -> memref<128xi32, #tpu.memory_space<vmem>>
        %dma_start3A_352 = arith.constant 0 : i32
        %dma_start3A_353 = arith.constant 0 : i32
        %dma_start3A_354 = tpu.memref_slice %arg2[%dma_start3A_352, %dma_start3A_353] : memref<2600000x64xf32, #tpu.memory_space<hbm>> -> memref<2600000x64xf32, #tpu.memory_space<hbm>>
        %dma_start3A_355 = tpu.memref_slice %arg7[%dma_start3A_344] : memref<8x!tpu.dma_semaphore, #tpu.memory_space<semaphore_mem>> -> memref<1x!tpu.dma_semaphore, #tpu.memory_space<semaphore_mem>>
        %dma_start3A_356 = tpu.memref_squeeze %dma_start3A_355 : memref<1x!tpu.dma_semaphore, #tpu.memory_space<semaphore_mem>> -> memref<!tpu.dma_semaphore, #tpu.memory_space<semaphore_mem>>
        tpu.enqueue_indirect_dma source(%dma_start3A_354 : memref<2600000x64xf32, #tpu.memory_space<hbm>>) target(%dma_start3A_348 : memref<128x64xf32, #tpu.memory_space<vmem>>) offsets(%dma_start3A_351 : memref<128xi32, #tpu.memory_space<vmem>>) semaphore(%dma_start3A_356 : memref<!tpu.dma_semaphore, #tpu.memory_space<semaphore_mem>>)
      } else {
      }
      %mul3A_206 = arith.constant 8 : i32
      %mul3A_207 = arith.muli %scan3A_129, %mul3A_206 : i32
      %add3A_208 = arith.constant 3 : i32
      %add3A_209 = arith.addi %mul3A_207, %add3A_208 : i32
      %dma_wait3A_210 = arith.constant 3 : i32
      %dma_wait3A_211 = arith.constant 3 : i32
      %dma_wait3A_212 = arith.constant 0 : i32
      %dma_wait3A_213 = arith.constant 0 : i32
      %dma_wait3A_214 = tpu.memref_slice %arg6[%dma_wait3A_210, %dma_wait3A_212, %dma_wait3A_213] : memref<8x128x64xf32, #tpu.memory_space<vmem>> -> memref<1x128x64xf32, #tpu.memory_space<vmem>>
      %dma_wait3A_215 = tpu.memref_squeeze %dma_wait3A_214 : memref<1x128x64xf32, #tpu.memory_space<vmem>> -> memref<128x64xf32, #tpu.memory_space<vmem>>
      %dma_wait3A_216 = arith.constant 0 : i32
      %dma_wait3A_217 = tpu.memref_slice %arg5[%add3A_209, %dma_wait3A_216] : memref<104x128xi32, #tpu.memory_space<vmem>> -> memref<1x128xi32, #tpu.memory_space<vmem>>
      %dma_wait3A_218 = tpu.memref_squeeze %dma_wait3A_217 : memref<1x128xi32, #tpu.memory_space<vmem>> -> memref<128xi32, #tpu.memory_space<vmem>>
      %dma_wait3A_219 = arith.constant 0 : i32
      %dma_wait3A_220 = arith.constant 0 : i32
      %dma_wait3A_221 = tpu.memref_slice %arg2[%dma_wait3A_219, %dma_wait3A_220] : memref<2600000x64xf32, #tpu.memory_space<hbm>> -> memref<2600000x64xf32, #tpu.memory_space<hbm>>
      %dma_wait3A_222 = tpu.memref_slice %arg7[%dma_wait3A_211] : memref<8x!tpu.dma_semaphore, #tpu.memory_space<semaphore_mem>> -> memref<1x!tpu.dma_semaphore, #tpu.memory_space<semaphore_mem>>
      %dma_wait3A_223 = tpu.memref_squeeze %dma_wait3A_222 : memref<1x!tpu.dma_semaphore, #tpu.memory_space<semaphore_mem>> -> memref<!tpu.dma_semaphore, #tpu.memory_space<semaphore_mem>>
      tpu.wait_indirect_dma semaphore(%dma_wait3A_223 : memref<!tpu.dma_semaphore, #tpu.memory_space<semaphore_mem>>) src(%dma_wait3A_221 : memref<2600000x64xf32, #tpu.memory_space<hbm>>) dst(%dma_wait3A_215 : memref<128x64xf32, #tpu.memory_space<vmem>>)
      %mul3A_224 = arith.constant 128 : i32
      %mul3A_225 = arith.muli %add3A_209, %mul3A_224 : i32
      %add3A_226 = arith.addi %mul3A_4, %mul3A_225 : i32
      %run_scoped3A_227 = arith.constant 3 : i32
      "tpu.region"() ({
        %run_scoped3A_341 = tpu.sem_alloc : memref<!tpu.dma_semaphore, #tpu.memory_space<semaphore_mem>>
        %dma_start3A_342 = arith.constant 0 : i32
        %dma_start3A_343 = arith.constant 0 : i32
        %dma_start3A_344 = tpu.memref_slice %arg6[%run_scoped3A_227, %dma_start3A_342, %dma_start3A_343] : memref<8x128x64xf32, #tpu.memory_space<vmem>> -> memref<1x128x64xf32, #tpu.memory_space<vmem>>
        %dma_start3A_345 = tpu.memref_squeeze %dma_start3A_344 : memref<1x128x64xf32, #tpu.memory_space<vmem>> -> memref<128x64xf32, #tpu.memory_space<vmem>>
        %dma_start3A_346 = arith.constant 0 : i32
        %dma_start3A_347 = tpu.memref_slice %arg4[%add3A_226, %dma_start3A_346] : memref<425984x64xf32, #tpu.memory_space<hbm>> -> memref<128x64xf32, #tpu.memory_space<hbm>>
        %dma_start3A_348 = arith.constant 0 : i32
        %dma_start3A_349 = tpu.memref_slice %arg4[%add3A_226, %dma_start3A_348] : memref<425984x64xf32, #tpu.memory_space<hbm>> -> memref<128x64xf32, #tpu.memory_space<hbm>>
        %dma_start3A_350 = arith.constant 0 : i32
        %dma_start3A_351 = arith.constant 0 : i32
        %dma_start3A_352 = tpu.memref_slice %arg6[%run_scoped3A_227, %dma_start3A_350, %dma_start3A_351] : memref<8x128x64xf32, #tpu.memory_space<vmem>> -> memref<1x128x64xf32, #tpu.memory_space<vmem>>
        %dma_start3A_353 = tpu.memref_squeeze %dma_start3A_352 : memref<1x128x64xf32, #tpu.memory_space<vmem>> -> memref<128x64xf32, #tpu.memory_space<vmem>>
        tpu.enqueue_dma source(%dma_start3A_353 : memref<128x64xf32, #tpu.memory_space<vmem>>) target(%dma_start3A_349 : memref<128x64xf32, #tpu.memory_space<hbm>>) target_semaphore(%run_scoped3A_341 : memref<!tpu.dma_semaphore, #tpu.memory_space<semaphore_mem>>)
        %dma_wait3A_354 = arith.constant 0 : i32
        %dma_wait3A_355 = arith.constant 0 : i32
        %dma_wait3A_356 = tpu.memref_slice %arg6[%run_scoped3A_227, %dma_wait3A_354, %dma_wait3A_355] : memref<8x128x64xf32, #tpu.memory_space<vmem>> -> memref<1x128x64xf32, #tpu.memory_space<vmem>>
        %dma_wait3A_357 = tpu.memref_squeeze %dma_wait3A_356 : memref<1x128x64xf32, #tpu.memory_space<vmem>> -> memref<128x64xf32, #tpu.memory_space<vmem>>
        %dma_wait3A_358 = arith.constant 0 : i32
        %dma_wait3A_359 = tpu.memref_slice %arg4[%add3A_226, %dma_wait3A_358] : memref<425984x64xf32, #tpu.memory_space<hbm>> -> memref<128x64xf32, #tpu.memory_space<hbm>>
        %dma_wait3A_360 = arith.constant 0 : i32
        %dma_wait3A_361 = tpu.memref_slice %arg4[%add3A_226, %dma_wait3A_360] : memref<425984x64xf32, #tpu.memory_space<hbm>> -> memref<128x64xf32, #tpu.memory_space<hbm>>
        %dma_wait3A_362 = arith.constant 0 : i32
        %dma_wait3A_363 = arith.constant 0 : i32
        %dma_wait3A_364 = tpu.memref_slice %arg6[%run_scoped3A_227, %dma_wait3A_362, %dma_wait3A_363] : memref<8x128x64xf32, #tpu.memory_space<vmem>> -> memref<1x128x64xf32, #tpu.memory_space<vmem>>
        %dma_wait3A_365 = tpu.memref_squeeze %dma_wait3A_364 : memref<1x128x64xf32, #tpu.memory_space<vmem>> -> memref<128x64xf32, #tpu.memory_space<vmem>>
        tpu.wait_dma2 semaphore(%run_scoped3A_341 : memref<!tpu.dma_semaphore, #tpu.memory_space<semaphore_mem>>) src(%dma_wait3A_365 : memref<128x64xf32, #tpu.memory_space<vmem>>) dst(%dma_wait3A_361 : memref<128x64xf32, #tpu.memory_space<hbm>>)
        tpu.yield
      }) : () -> ()
      %lt3A_228 = arith.constant 12 : i32
      %lt3A_229 = arith.cmpi slt, %scan3A_129, %lt3A_228 : i32
      %convert_element_type3A_230 = arith.extui %lt3A_229 : i1 to i32
      %cond3A_231 = arith.constant 0 : i32
      %cond3A_232 = arith.cmpi ne, %convert_element_type3A_230, %cond3A_231 : i32
      scf.if %cond3A_232 {
        %add3A_341 = arith.constant 8 : i32
        %add3A_342 = arith.addi %add3A_209, %add3A_341 : i32
        %dma_start3A_343 = arith.constant 3 : i32
        %dma_start3A_344 = arith.constant 3 : i32
        %dma_start3A_345 = arith.constant 0 : i32
        %dma_start3A_346 = arith.constant 0 : i32
        %dma_start3A_347 = tpu.memref_slice %arg6[%dma_start3A_343, %dma_start3A_345, %dma_start3A_346] : memref<8x128x64xf32, #tpu.memory_space<vmem>> -> memref<1x128x64xf32, #tpu.memory_space<vmem>>
        %dma_start3A_348 = tpu.memref_squeeze %dma_start3A_347 : memref<1x128x64xf32, #tpu.memory_space<vmem>> -> memref<128x64xf32, #tpu.memory_space<vmem>>
        %dma_start3A_349 = arith.constant 0 : i32
        %dma_start3A_350 = tpu.memref_slice %arg5[%add3A_342, %dma_start3A_349] : memref<104x128xi32, #tpu.memory_space<vmem>> -> memref<1x128xi32, #tpu.memory_space<vmem>>
        %dma_start3A_351 = tpu.memref_squeeze %dma_start3A_350 : memref<1x128xi32, #tpu.memory_space<vmem>> -> memref<128xi32, #tpu.memory_space<vmem>>
        %dma_start3A_352 = arith.constant 0 : i32
        %dma_start3A_353 = arith.constant 0 : i32
        %dma_start3A_354 = tpu.memref_slice %arg2[%dma_start3A_352, %dma_start3A_353] : memref<2600000x64xf32, #tpu.memory_space<hbm>> -> memref<2600000x64xf32, #tpu.memory_space<hbm>>
        %dma_start3A_355 = tpu.memref_slice %arg7[%dma_start3A_344] : memref<8x!tpu.dma_semaphore, #tpu.memory_space<semaphore_mem>> -> memref<1x!tpu.dma_semaphore, #tpu.memory_space<semaphore_mem>>
        %dma_start3A_356 = tpu.memref_squeeze %dma_start3A_355 : memref<1x!tpu.dma_semaphore, #tpu.memory_space<semaphore_mem>> -> memref<!tpu.dma_semaphore, #tpu.memory_space<semaphore_mem>>
        tpu.enqueue_indirect_dma source(%dma_start3A_354 : memref<2600000x64xf32, #tpu.memory_space<hbm>>) target(%dma_start3A_348 : memref<128x64xf32, #tpu.memory_space<vmem>>) offsets(%dma_start3A_351 : memref<128xi32, #tpu.memory_space<vmem>>) semaphore(%dma_start3A_356 : memref<!tpu.dma_semaphore, #tpu.memory_space<semaphore_mem>>)
      } else {
      }
      %mul3A_233 = arith.constant 8 : i32
      %mul3A_234 = arith.muli %scan3A_129, %mul3A_233 : i32
      %add3A_235 = arith.constant 4 : i32
      %add3A_236 = arith.addi %mul3A_234, %add3A_235 : i32
      %dma_wait3A_237 = arith.constant 4 : i32
      %dma_wait3A_238 = arith.constant 4 : i32
      %dma_wait3A_239 = arith.constant 0 : i32
      %dma_wait3A_240 = arith.constant 0 : i32
      %dma_wait3A_241 = tpu.memref_slice %arg6[%dma_wait3A_237, %dma_wait3A_239, %dma_wait3A_240] : memref<8x128x64xf32, #tpu.memory_space<vmem>> -> memref<1x128x64xf32, #tpu.memory_space<vmem>>
      %dma_wait3A_242 = tpu.memref_squeeze %dma_wait3A_241 : memref<1x128x64xf32, #tpu.memory_space<vmem>> -> memref<128x64xf32, #tpu.memory_space<vmem>>
      %dma_wait3A_243 = arith.constant 0 : i32
      %dma_wait3A_244 = tpu.memref_slice %arg5[%add3A_236, %dma_wait3A_243] : memref<104x128xi32, #tpu.memory_space<vmem>> -> memref<1x128xi32, #tpu.memory_space<vmem>>
      %dma_wait3A_245 = tpu.memref_squeeze %dma_wait3A_244 : memref<1x128xi32, #tpu.memory_space<vmem>> -> memref<128xi32, #tpu.memory_space<vmem>>
      %dma_wait3A_246 = arith.constant 0 : i32
      %dma_wait3A_247 = arith.constant 0 : i32
      %dma_wait3A_248 = tpu.memref_slice %arg2[%dma_wait3A_246, %dma_wait3A_247] : memref<2600000x64xf32, #tpu.memory_space<hbm>> -> memref<2600000x64xf32, #tpu.memory_space<hbm>>
      %dma_wait3A_249 = tpu.memref_slice %arg7[%dma_wait3A_238] : memref<8x!tpu.dma_semaphore, #tpu.memory_space<semaphore_mem>> -> memref<1x!tpu.dma_semaphore, #tpu.memory_space<semaphore_mem>>
      %dma_wait3A_250 = tpu.memref_squeeze %dma_wait3A_249 : memref<1x!tpu.dma_semaphore, #tpu.memory_space<semaphore_mem>> -> memref<!tpu.dma_semaphore, #tpu.memory_space<semaphore_mem>>
      tpu.wait_indirect_dma semaphore(%dma_wait3A_250 : memref<!tpu.dma_semaphore, #tpu.memory_space<semaphore_mem>>) src(%dma_wait3A_248 : memref<2600000x64xf32, #tpu.memory_space<hbm>>) dst(%dma_wait3A_242 : memref<128x64xf32, #tpu.memory_space<vmem>>)
      %mul3A_251 = arith.constant 128 : i32
      %mul3A_252 = arith.muli %add3A_236, %mul3A_251 : i32
      %add3A_253 = arith.addi %mul3A_4, %mul3A_252 : i32
      %run_scoped3A_254 = arith.constant 4 : i32
      "tpu.region"() ({
        %run_scoped3A_341 = tpu.sem_alloc : memref<!tpu.dma_semaphore, #tpu.memory_space<semaphore_mem>>
        %dma_start3A_342 = arith.constant 0 : i32
        %dma_start3A_343 = arith.constant 0 : i32
        %dma_start3A_344 = tpu.memref_slice %arg6[%run_scoped3A_254, %dma_start3A_342, %dma_start3A_343] : memref<8x128x64xf32, #tpu.memory_space<vmem>> -> memref<1x128x64xf32, #tpu.memory_space<vmem>>
        %dma_start3A_345 = tpu.memref_squeeze %dma_start3A_344 : memref<1x128x64xf32, #tpu.memory_space<vmem>> -> memref<128x64xf32, #tpu.memory_space<vmem>>
        %dma_start3A_346 = arith.constant 0 : i32
        %dma_start3A_347 = tpu.memref_slice %arg4[%add3A_253, %dma_start3A_346] : memref<425984x64xf32, #tpu.memory_space<hbm>> -> memref<128x64xf32, #tpu.memory_space<hbm>>
        %dma_start3A_348 = arith.constant 0 : i32
        %dma_start3A_349 = tpu.memref_slice %arg4[%add3A_253, %dma_start3A_348] : memref<425984x64xf32, #tpu.memory_space<hbm>> -> memref<128x64xf32, #tpu.memory_space<hbm>>
        %dma_start3A_350 = arith.constant 0 : i32
        %dma_start3A_351 = arith.constant 0 : i32
        %dma_start3A_352 = tpu.memref_slice %arg6[%run_scoped3A_254, %dma_start3A_350, %dma_start3A_351] : memref<8x128x64xf32, #tpu.memory_space<vmem>> -> memref<1x128x64xf32, #tpu.memory_space<vmem>>
        %dma_start3A_353 = tpu.memref_squeeze %dma_start3A_352 : memref<1x128x64xf32, #tpu.memory_space<vmem>> -> memref<128x64xf32, #tpu.memory_space<vmem>>
        tpu.enqueue_dma source(%dma_start3A_353 : memref<128x64xf32, #tpu.memory_space<vmem>>) target(%dma_start3A_349 : memref<128x64xf32, #tpu.memory_space<hbm>>) target_semaphore(%run_scoped3A_341 : memref<!tpu.dma_semaphore, #tpu.memory_space<semaphore_mem>>)
        %dma_wait3A_354 = arith.constant 0 : i32
        %dma_wait3A_355 = arith.constant 0 : i32
        %dma_wait3A_356 = tpu.memref_slice %arg6[%run_scoped3A_254, %dma_wait3A_354, %dma_wait3A_355] : memref<8x128x64xf32, #tpu.memory_space<vmem>> -> memref<1x128x64xf32, #tpu.memory_space<vmem>>
        %dma_wait3A_357 = tpu.memref_squeeze %dma_wait3A_356 : memref<1x128x64xf32, #tpu.memory_space<vmem>> -> memref<128x64xf32, #tpu.memory_space<vmem>>
        %dma_wait3A_358 = arith.constant 0 : i32
        %dma_wait3A_359 = tpu.memref_slice %arg4[%add3A_253, %dma_wait3A_358] : memref<425984x64xf32, #tpu.memory_space<hbm>> -> memref<128x64xf32, #tpu.memory_space<hbm>>
        %dma_wait3A_360 = arith.constant 0 : i32
        %dma_wait3A_361 = tpu.memref_slice %arg4[%add3A_253, %dma_wait3A_360] : memref<425984x64xf32, #tpu.memory_space<hbm>> -> memref<128x64xf32, #tpu.memory_space<hbm>>
        %dma_wait3A_362 = arith.constant 0 : i32
        %dma_wait3A_363 = arith.constant 0 : i32
        %dma_wait3A_364 = tpu.memref_slice %arg6[%run_scoped3A_254, %dma_wait3A_362, %dma_wait3A_363] : memref<8x128x64xf32, #tpu.memory_space<vmem>> -> memref<1x128x64xf32, #tpu.memory_space<vmem>>
        %dma_wait3A_365 = tpu.memref_squeeze %dma_wait3A_364 : memref<1x128x64xf32, #tpu.memory_space<vmem>> -> memref<128x64xf32, #tpu.memory_space<vmem>>
        tpu.wait_dma2 semaphore(%run_scoped3A_341 : memref<!tpu.dma_semaphore, #tpu.memory_space<semaphore_mem>>) src(%dma_wait3A_365 : memref<128x64xf32, #tpu.memory_space<vmem>>) dst(%dma_wait3A_361 : memref<128x64xf32, #tpu.memory_space<hbm>>)
        tpu.yield
      }) : () -> ()
      %lt3A_255 = arith.constant 12 : i32
      %lt3A_256 = arith.cmpi slt, %scan3A_129, %lt3A_255 : i32
      %convert_element_type3A_257 = arith.extui %lt3A_256 : i1 to i32
      %cond3A_258 = arith.constant 0 : i32
      %cond3A_259 = arith.cmpi ne, %convert_element_type3A_257, %cond3A_258 : i32
      scf.if %cond3A_259 {
        %add3A_341 = arith.constant 8 : i32
        %add3A_342 = arith.addi %add3A_236, %add3A_341 : i32
        %dma_start3A_343 = arith.constant 4 : i32
        %dma_start3A_344 = arith.constant 4 : i32
        %dma_start3A_345 = arith.constant 0 : i32
        %dma_start3A_346 = arith.constant 0 : i32
        %dma_start3A_347 = tpu.memref_slice %arg6[%dma_start3A_343, %dma_start3A_345, %dma_start3A_346] : memref<8x128x64xf32, #tpu.memory_space<vmem>> -> memref<1x128x64xf32, #tpu.memory_space<vmem>>
        %dma_start3A_348 = tpu.memref_squeeze %dma_start3A_347 : memref<1x128x64xf32, #tpu.memory_space<vmem>> -> memref<128x64xf32, #tpu.memory_space<vmem>>
        %dma_start3A_349 = arith.constant 0 : i32
        %dma_start3A_350 = tpu.memref_slice %arg5[%add3A_342, %dma_start3A_349] : memref<104x128xi32, #tpu.memory_space<vmem>> -> memref<1x128xi32, #tpu.memory_space<vmem>>
        %dma_start3A_351 = tpu.memref_squeeze %dma_start3A_350 : memref<1x128xi32, #tpu.memory_space<vmem>> -> memref<128xi32, #tpu.memory_space<vmem>>
        %dma_start3A_352 = arith.constant 0 : i32
        %dma_start3A_353 = arith.constant 0 : i32
        %dma_start3A_354 = tpu.memref_slice %arg2[%dma_start3A_352, %dma_start3A_353] : memref<2600000x64xf32, #tpu.memory_space<hbm>> -> memref<2600000x64xf32, #tpu.memory_space<hbm>>
        %dma_start3A_355 = tpu.memref_slice %arg7[%dma_start3A_344] : memref<8x!tpu.dma_semaphore, #tpu.memory_space<semaphore_mem>> -> memref<1x!tpu.dma_semaphore, #tpu.memory_space<semaphore_mem>>
        %dma_start3A_356 = tpu.memref_squeeze %dma_start3A_355 : memref<1x!tpu.dma_semaphore, #tpu.memory_space<semaphore_mem>> -> memref<!tpu.dma_semaphore, #tpu.memory_space<semaphore_mem>>
        tpu.enqueue_indirect_dma source(%dma_start3A_354 : memref<2600000x64xf32, #tpu.memory_space<hbm>>) target(%dma_start3A_348 : memref<128x64xf32, #tpu.memory_space<vmem>>) offsets(%dma_start3A_351 : memref<128xi32, #tpu.memory_space<vmem>>) semaphore(%dma_start3A_356 : memref<!tpu.dma_semaphore, #tpu.memory_space<semaphore_mem>>)
      } else {
      }
      %mul3A_260 = arith.constant 8 : i32
      %mul3A_261 = arith.muli %scan3A_129, %mul3A_260 : i32
      %add3A_262 = arith.constant 5 : i32
      %add3A_263 = arith.addi %mul3A_261, %add3A_262 : i32
      %dma_wait3A_264 = arith.constant 5 : i32
      %dma_wait3A_265 = arith.constant 5 : i32
      %dma_wait3A_266 = arith.constant 0 : i32
      %dma_wait3A_267 = arith.constant 0 : i32
      %dma_wait3A_268 = tpu.memref_slice %arg6[%dma_wait3A_264, %dma_wait3A_266, %dma_wait3A_267] : memref<8x128x64xf32, #tpu.memory_space<vmem>> -> memref<1x128x64xf32, #tpu.memory_space<vmem>>
      %dma_wait3A_269 = tpu.memref_squeeze %dma_wait3A_268 : memref<1x128x64xf32, #tpu.memory_space<vmem>> -> memref<128x64xf32, #tpu.memory_space<vmem>>
      %dma_wait3A_270 = arith.constant 0 : i32
      %dma_wait3A_271 = tpu.memref_slice %arg5[%add3A_263, %dma_wait3A_270] : memref<104x128xi32, #tpu.memory_space<vmem>> -> memref<1x128xi32, #tpu.memory_space<vmem>>
      %dma_wait3A_272 = tpu.memref_squeeze %dma_wait3A_271 : memref<1x128xi32, #tpu.memory_space<vmem>> -> memref<128xi32, #tpu.memory_space<vmem>>
      %dma_wait3A_273 = arith.constant 0 : i32
      %dma_wait3A_274 = arith.constant 0 : i32
      %dma_wait3A_275 = tpu.memref_slice %arg2[%dma_wait3A_273, %dma_wait3A_274] : memref<2600000x64xf32, #tpu.memory_space<hbm>> -> memref<2600000x64xf32, #tpu.memory_space<hbm>>
      %dma_wait3A_276 = tpu.memref_slice %arg7[%dma_wait3A_265] : memref<8x!tpu.dma_semaphore, #tpu.memory_space<semaphore_mem>> -> memref<1x!tpu.dma_semaphore, #tpu.memory_space<semaphore_mem>>
      %dma_wait3A_277 = tpu.memref_squeeze %dma_wait3A_276 : memref<1x!tpu.dma_semaphore, #tpu.memory_space<semaphore_mem>> -> memref<!tpu.dma_semaphore, #tpu.memory_space<semaphore_mem>>
      tpu.wait_indirect_dma semaphore(%dma_wait3A_277 : memref<!tpu.dma_semaphore, #tpu.memory_space<semaphore_mem>>) src(%dma_wait3A_275 : memref<2600000x64xf32, #tpu.memory_space<hbm>>) dst(%dma_wait3A_269 : memref<128x64xf32, #tpu.memory_space<vmem>>)
      %mul3A_278 = arith.constant 128 : i32
      %mul3A_279 = arith.muli %add3A_263, %mul3A_278 : i32
      %add3A_280 = arith.addi %mul3A_4, %mul3A_279 : i32
      %run_scoped3A_281 = arith.constant 5 : i32
      "tpu.region"() ({
        %run_scoped3A_341 = tpu.sem_alloc : memref<!tpu.dma_semaphore, #tpu.memory_space<semaphore_mem>>
        %dma_start3A_342 = arith.constant 0 : i32
        %dma_start3A_343 = arith.constant 0 : i32
        %dma_start3A_344 = tpu.memref_slice %arg6[%run_scoped3A_281, %dma_start3A_342, %dma_start3A_343] : memref<8x128x64xf32, #tpu.memory_space<vmem>> -> memref<1x128x64xf32, #tpu.memory_space<vmem>>
        %dma_start3A_345 = tpu.memref_squeeze %dma_start3A_344 : memref<1x128x64xf32, #tpu.memory_space<vmem>> -> memref<128x64xf32, #tpu.memory_space<vmem>>
        %dma_start3A_346 = arith.constant 0 : i32
        %dma_start3A_347 = tpu.memref_slice %arg4[%add3A_280, %dma_start3A_346] : memref<425984x64xf32, #tpu.memory_space<hbm>> -> memref<128x64xf32, #tpu.memory_space<hbm>>
        %dma_start3A_348 = arith.constant 0 : i32
        %dma_start3A_349 = tpu.memref_slice %arg4[%add3A_280, %dma_start3A_348] : memref<425984x64xf32, #tpu.memory_space<hbm>> -> memref<128x64xf32, #tpu.memory_space<hbm>>
        %dma_start3A_350 = arith.constant 0 : i32
        %dma_start3A_351 = arith.constant 0 : i32
        %dma_start3A_352 = tpu.memref_slice %arg6[%run_scoped3A_281, %dma_start3A_350, %dma_start3A_351] : memref<8x128x64xf32, #tpu.memory_space<vmem>> -> memref<1x128x64xf32, #tpu.memory_space<vmem>>
        %dma_start3A_353 = tpu.memref_squeeze %dma_start3A_352 : memref<1x128x64xf32, #tpu.memory_space<vmem>> -> memref<128x64xf32, #tpu.memory_space<vmem>>
        tpu.enqueue_dma source(%dma_start3A_353 : memref<128x64xf32, #tpu.memory_space<vmem>>) target(%dma_start3A_349 : memref<128x64xf32, #tpu.memory_space<hbm>>) target_semaphore(%run_scoped3A_341 : memref<!tpu.dma_semaphore, #tpu.memory_space<semaphore_mem>>)
        %dma_wait3A_354 = arith.constant 0 : i32
        %dma_wait3A_355 = arith.constant 0 : i32
        %dma_wait3A_356 = tpu.memref_slice %arg6[%run_scoped3A_281, %dma_wait3A_354, %dma_wait3A_355] : memref<8x128x64xf32, #tpu.memory_space<vmem>> -> memref<1x128x64xf32, #tpu.memory_space<vmem>>
        %dma_wait3A_357 = tpu.memref_squeeze %dma_wait3A_356 : memref<1x128x64xf32, #tpu.memory_space<vmem>> -> memref<128x64xf32, #tpu.memory_space<vmem>>
        %dma_wait3A_358 = arith.constant 0 : i32
        %dma_wait3A_359 = tpu.memref_slice %arg4[%add3A_280, %dma_wait3A_358] : memref<425984x64xf32, #tpu.memory_space<hbm>> -> memref<128x64xf32, #tpu.memory_space<hbm>>
        %dma_wait3A_360 = arith.constant 0 : i32
        %dma_wait3A_361 = tpu.memref_slice %arg4[%add3A_280, %dma_wait3A_360] : memref<425984x64xf32, #tpu.memory_space<hbm>> -> memref<128x64xf32, #tpu.memory_space<hbm>>
        %dma_wait3A_362 = arith.constant 0 : i32
        %dma_wait3A_363 = arith.constant 0 : i32
        %dma_wait3A_364 = tpu.memref_slice %arg6[%run_scoped3A_281, %dma_wait3A_362, %dma_wait3A_363] : memref<8x128x64xf32, #tpu.memory_space<vmem>> -> memref<1x128x64xf32, #tpu.memory_space<vmem>>
        %dma_wait3A_365 = tpu.memref_squeeze %dma_wait3A_364 : memref<1x128x64xf32, #tpu.memory_space<vmem>> -> memref<128x64xf32, #tpu.memory_space<vmem>>
        tpu.wait_dma2 semaphore(%run_scoped3A_341 : memref<!tpu.dma_semaphore, #tpu.memory_space<semaphore_mem>>) src(%dma_wait3A_365 : memref<128x64xf32, #tpu.memory_space<vmem>>) dst(%dma_wait3A_361 : memref<128x64xf32, #tpu.memory_space<hbm>>)
        tpu.yield
      }) : () -> ()
      %lt3A_282 = arith.constant 12 : i32
      %lt3A_283 = arith.cmpi slt, %scan3A_129, %lt3A_282 : i32
      %convert_element_type3A_284 = arith.extui %lt3A_283 : i1 to i32
      %cond3A_285 = arith.constant 0 : i32
      %cond3A_286 = arith.cmpi ne, %convert_element_type3A_284, %cond3A_285 : i32
      scf.if %cond3A_286 {
        %add3A_341 = arith.constant 8 : i32
        %add3A_342 = arith.addi %add3A_263, %add3A_341 : i32
        %dma_start3A_343 = arith.constant 5 : i32
        %dma_start3A_344 = arith.constant 5 : i32
        %dma_start3A_345 = arith.constant 0 : i32
        %dma_start3A_346 = arith.constant 0 : i32
        %dma_start3A_347 = tpu.memref_slice %arg6[%dma_start3A_343, %dma_start3A_345, %dma_start3A_346] : memref<8x128x64xf32, #tpu.memory_space<vmem>> -> memref<1x128x64xf32, #tpu.memory_space<vmem>>
        %dma_start3A_348 = tpu.memref_squeeze %dma_start3A_347 : memref<1x128x64xf32, #tpu.memory_space<vmem>> -> memref<128x64xf32, #tpu.memory_space<vmem>>
        %dma_start3A_349 = arith.constant 0 : i32
        %dma_start3A_350 = tpu.memref_slice %arg5[%add3A_342, %dma_start3A_349] : memref<104x128xi32, #tpu.memory_space<vmem>> -> memref<1x128xi32, #tpu.memory_space<vmem>>
        %dma_start3A_351 = tpu.memref_squeeze %dma_start3A_350 : memref<1x128xi32, #tpu.memory_space<vmem>> -> memref<128xi32, #tpu.memory_space<vmem>>
        %dma_start3A_352 = arith.constant 0 : i32
        %dma_start3A_353 = arith.constant 0 : i32
        %dma_start3A_354 = tpu.memref_slice %arg2[%dma_start3A_352, %dma_start3A_353] : memref<2600000x64xf32, #tpu.memory_space<hbm>> -> memref<2600000x64xf32, #tpu.memory_space<hbm>>
        %dma_start3A_355 = tpu.memref_slice %arg7[%dma_start3A_344] : memref<8x!tpu.dma_semaphore, #tpu.memory_space<semaphore_mem>> -> memref<1x!tpu.dma_semaphore, #tpu.memory_space<semaphore_mem>>
        %dma_start3A_356 = tpu.memref_squeeze %dma_start3A_355 : memref<1x!tpu.dma_semaphore, #tpu.memory_space<semaphore_mem>> -> memref<!tpu.dma_semaphore, #tpu.memory_space<semaphore_mem>>
        tpu.enqueue_indirect_dma source(%dma_start3A_354 : memref<2600000x64xf32, #tpu.memory_space<hbm>>) target(%dma_start3A_348 : memref<128x64xf32, #tpu.memory_space<vmem>>) offsets(%dma_start3A_351 : memref<128xi32, #tpu.memory_space<vmem>>) semaphore(%dma_start3A_356 : memref<!tpu.dma_semaphore, #tpu.memory_space<semaphore_mem>>)
      } else {
      }
      %mul3A_287 = arith.constant 8 : i32
      %mul3A_288 = arith.muli %scan3A_129, %mul3A_287 : i32
      %add3A_289 = arith.constant 6 : i32
      %add3A_290 = arith.addi %mul3A_288, %add3A_289 : i32
      %dma_wait3A_291 = arith.constant 6 : i32
      %dma_wait3A_292 = arith.constant 6 : i32
      %dma_wait3A_293 = arith.constant 0 : i32
      %dma_wait3A_294 = arith.constant 0 : i32
      %dma_wait3A_295 = tpu.memref_slice %arg6[%dma_wait3A_291, %dma_wait3A_293, %dma_wait3A_294] : memref<8x128x64xf32, #tpu.memory_space<vmem>> -> memref<1x128x64xf32, #tpu.memory_space<vmem>>
      %dma_wait3A_296 = tpu.memref_squeeze %dma_wait3A_295 : memref<1x128x64xf32, #tpu.memory_space<vmem>> -> memref<128x64xf32, #tpu.memory_space<vmem>>
      %dma_wait3A_297 = arith.constant 0 : i32
      %dma_wait3A_298 = tpu.memref_slice %arg5[%add3A_290, %dma_wait3A_297] : memref<104x128xi32, #tpu.memory_space<vmem>> -> memref<1x128xi32, #tpu.memory_space<vmem>>
      %dma_wait3A_299 = tpu.memref_squeeze %dma_wait3A_298 : memref<1x128xi32, #tpu.memory_space<vmem>> -> memref<128xi32, #tpu.memory_space<vmem>>
      %dma_wait3A_300 = arith.constant 0 : i32
      %dma_wait3A_301 = arith.constant 0 : i32
      %dma_wait3A_302 = tpu.memref_slice %arg2[%dma_wait3A_300, %dma_wait3A_301] : memref<2600000x64xf32, #tpu.memory_space<hbm>> -> memref<2600000x64xf32, #tpu.memory_space<hbm>>
      %dma_wait3A_303 = tpu.memref_slice %arg7[%dma_wait3A_292] : memref<8x!tpu.dma_semaphore, #tpu.memory_space<semaphore_mem>> -> memref<1x!tpu.dma_semaphore, #tpu.memory_space<semaphore_mem>>
      %dma_wait3A_304 = tpu.memref_squeeze %dma_wait3A_303 : memref<1x!tpu.dma_semaphore, #tpu.memory_space<semaphore_mem>> -> memref<!tpu.dma_semaphore, #tpu.memory_space<semaphore_mem>>
      tpu.wait_indirect_dma semaphore(%dma_wait3A_304 : memref<!tpu.dma_semaphore, #tpu.memory_space<semaphore_mem>>) src(%dma_wait3A_302 : memref<2600000x64xf32, #tpu.memory_space<hbm>>) dst(%dma_wait3A_296 : memref<128x64xf32, #tpu.memory_space<vmem>>)
      %mul3A_305 = arith.constant 128 : i32
      %mul3A_306 = arith.muli %add3A_290, %mul3A_305 : i32
      %add3A_307 = arith.addi %mul3A_4, %mul3A_306 : i32
      %run_scoped3A_308 = arith.constant 6 : i32
      "tpu.region"() ({
        %run_scoped3A_341 = tpu.sem_alloc : memref<!tpu.dma_semaphore, #tpu.memory_space<semaphore_mem>>
        %dma_start3A_342 = arith.constant 0 : i32
        %dma_start3A_343 = arith.constant 0 : i32
        %dma_start3A_344 = tpu.memref_slice %arg6[%run_scoped3A_308, %dma_start3A_342, %dma_start3A_343] : memref<8x128x64xf32, #tpu.memory_space<vmem>> -> memref<1x128x64xf32, #tpu.memory_space<vmem>>
        %dma_start3A_345 = tpu.memref_squeeze %dma_start3A_344 : memref<1x128x64xf32, #tpu.memory_space<vmem>> -> memref<128x64xf32, #tpu.memory_space<vmem>>
        %dma_start3A_346 = arith.constant 0 : i32
        %dma_start3A_347 = tpu.memref_slice %arg4[%add3A_307, %dma_start3A_346] : memref<425984x64xf32, #tpu.memory_space<hbm>> -> memref<128x64xf32, #tpu.memory_space<hbm>>
        %dma_start3A_348 = arith.constant 0 : i32
        %dma_start3A_349 = tpu.memref_slice %arg4[%add3A_307, %dma_start3A_348] : memref<425984x64xf32, #tpu.memory_space<hbm>> -> memref<128x64xf32, #tpu.memory_space<hbm>>
        %dma_start3A_350 = arith.constant 0 : i32
        %dma_start3A_351 = arith.constant 0 : i32
        %dma_start3A_352 = tpu.memref_slice %arg6[%run_scoped3A_308, %dma_start3A_350, %dma_start3A_351] : memref<8x128x64xf32, #tpu.memory_space<vmem>> -> memref<1x128x64xf32, #tpu.memory_space<vmem>>
        %dma_start3A_353 = tpu.memref_squeeze %dma_start3A_352 : memref<1x128x64xf32, #tpu.memory_space<vmem>> -> memref<128x64xf32, #tpu.memory_space<vmem>>
        tpu.enqueue_dma source(%dma_start3A_353 : memref<128x64xf32, #tpu.memory_space<vmem>>) target(%dma_start3A_349 : memref<128x64xf32, #tpu.memory_space<hbm>>) target_semaphore(%run_scoped3A_341 : memref<!tpu.dma_semaphore, #tpu.memory_space<semaphore_mem>>)
        %dma_wait3A_354 = arith.constant 0 : i32
        %dma_wait3A_355 = arith.constant 0 : i32
        %dma_wait3A_356 = tpu.memref_slice %arg6[%run_scoped3A_308, %dma_wait3A_354, %dma_wait3A_355] : memref<8x128x64xf32, #tpu.memory_space<vmem>> -> memref<1x128x64xf32, #tpu.memory_space<vmem>>
        %dma_wait3A_357 = tpu.memref_squeeze %dma_wait3A_356 : memref<1x128x64xf32, #tpu.memory_space<vmem>> -> memref<128x64xf32, #tpu.memory_space<vmem>>
        %dma_wait3A_358 = arith.constant 0 : i32
        %dma_wait3A_359 = tpu.memref_slice %arg4[%add3A_307, %dma_wait3A_358] : memref<425984x64xf32, #tpu.memory_space<hbm>> -> memref<128x64xf32, #tpu.memory_space<hbm>>
        %dma_wait3A_360 = arith.constant 0 : i32
        %dma_wait3A_361 = tpu.memref_slice %arg4[%add3A_307, %dma_wait3A_360] : memref<425984x64xf32, #tpu.memory_space<hbm>> -> memref<128x64xf32, #tpu.memory_space<hbm>>
        %dma_wait3A_362 = arith.constant 0 : i32
        %dma_wait3A_363 = arith.constant 0 : i32
        %dma_wait3A_364 = tpu.memref_slice %arg6[%run_scoped3A_308, %dma_wait3A_362, %dma_wait3A_363] : memref<8x128x64xf32, #tpu.memory_space<vmem>> -> memref<1x128x64xf32, #tpu.memory_space<vmem>>
        %dma_wait3A_365 = tpu.memref_squeeze %dma_wait3A_364 : memref<1x128x64xf32, #tpu.memory_space<vmem>> -> memref<128x64xf32, #tpu.memory_space<vmem>>
        tpu.wait_dma2 semaphore(%run_scoped3A_341 : memref<!tpu.dma_semaphore, #tpu.memory_space<semaphore_mem>>) src(%dma_wait3A_365 : memref<128x64xf32, #tpu.memory_space<vmem>>) dst(%dma_wait3A_361 : memref<128x64xf32, #tpu.memory_space<hbm>>)
        tpu.yield
      }) : () -> ()
      %lt3A_309 = arith.constant 12 : i32
      %lt3A_310 = arith.cmpi slt, %scan3A_129, %lt3A_309 : i32
      %convert_element_type3A_311 = arith.extui %lt3A_310 : i1 to i32
      %cond3A_312 = arith.constant 0 : i32
      %cond3A_313 = arith.cmpi ne, %convert_element_type3A_311, %cond3A_312 : i32
      scf.if %cond3A_313 {
        %add3A_341 = arith.constant 8 : i32
        %add3A_342 = arith.addi %add3A_290, %add3A_341 : i32
        %dma_start3A_343 = arith.constant 6 : i32
        %dma_start3A_344 = arith.constant 6 : i32
        %dma_start3A_345 = arith.constant 0 : i32
        %dma_start3A_346 = arith.constant 0 : i32
        %dma_start3A_347 = tpu.memref_slice %arg6[%dma_start3A_343, %dma_start3A_345, %dma_start3A_346] : memref<8x128x64xf32, #tpu.memory_space<vmem>> -> memref<1x128x64xf32, #tpu.memory_space<vmem>>
        %dma_start3A_348 = tpu.memref_squeeze %dma_start3A_347 : memref<1x128x64xf32, #tpu.memory_space<vmem>> -> memref<128x64xf32, #tpu.memory_space<vmem>>
        %dma_start3A_349 = arith.constant 0 : i32
        %dma_start3A_350 = tpu.memref_slice %arg5[%add3A_342, %dma_start3A_349] : memref<104x128xi32, #tpu.memory_space<vmem>> -> memref<1x128xi32, #tpu.memory_space<vmem>>
        %dma_start3A_351 = tpu.memref_squeeze %dma_start3A_350 : memref<1x128xi32, #tpu.memory_space<vmem>> -> memref<128xi32, #tpu.memory_space<vmem>>
        %dma_start3A_352 = arith.constant 0 : i32
        %dma_start3A_353 = arith.constant 0 : i32
        %dma_start3A_354 = tpu.memref_slice %arg2[%dma_start3A_352, %dma_start3A_353] : memref<2600000x64xf32, #tpu.memory_space<hbm>> -> memref<2600000x64xf32, #tpu.memory_space<hbm>>
        %dma_start3A_355 = tpu.memref_slice %arg7[%dma_start3A_344] : memref<8x!tpu.dma_semaphore, #tpu.memory_space<semaphore_mem>> -> memref<1x!tpu.dma_semaphore, #tpu.memory_space<semaphore_mem>>
        %dma_start3A_356 = tpu.memref_squeeze %dma_start3A_355 : memref<1x!tpu.dma_semaphore, #tpu.memory_space<semaphore_mem>> -> memref<!tpu.dma_semaphore, #tpu.memory_space<semaphore_mem>>
        tpu.enqueue_indirect_dma source(%dma_start3A_354 : memref<2600000x64xf32, #tpu.memory_space<hbm>>) target(%dma_start3A_348 : memref<128x64xf32, #tpu.memory_space<vmem>>) offsets(%dma_start3A_351 : memref<128xi32, #tpu.memory_space<vmem>>) semaphore(%dma_start3A_356 : memref<!tpu.dma_semaphore, #tpu.memory_space<semaphore_mem>>)
      } else {
      }
      %mul3A_314 = arith.constant 8 : i32
      %mul3A_315 = arith.muli %scan3A_129, %mul3A_314 : i32
      %add3A_316 = arith.constant 7 : i32
      %add3A_317 = arith.addi %mul3A_315, %add3A_316 : i32
      %dma_wait3A_318 = arith.constant 7 : i32
      %dma_wait3A_319 = arith.constant 7 : i32
      %dma_wait3A_320 = arith.constant 0 : i32
      %dma_wait3A_321 = arith.constant 0 : i32
      %dma_wait3A_322 = tpu.memref_slice %arg6[%dma_wait3A_318, %dma_wait3A_320, %dma_wait3A_321] : memref<8x128x64xf32, #tpu.memory_space<vmem>> -> memref<1x128x64xf32, #tpu.memory_space<vmem>>
      %dma_wait3A_323 = tpu.memref_squeeze %dma_wait3A_322 : memref<1x128x64xf32, #tpu.memory_space<vmem>> -> memref<128x64xf32, #tpu.memory_space<vmem>>
      %dma_wait3A_324 = arith.constant 0 : i32
      %dma_wait3A_325 = tpu.memref_slice %arg5[%add3A_317, %dma_wait3A_324] : memref<104x128xi32, #tpu.memory_space<vmem>> -> memref<1x128xi32, #tpu.memory_space<vmem>>
      %dma_wait3A_326 = tpu.memref_squeeze %dma_wait3A_325 : memref<1x128xi32, #tpu.memory_space<vmem>> -> memref<128xi32, #tpu.memory_space<vmem>>
      %dma_wait3A_327 = arith.constant 0 : i32
      %dma_wait3A_328 = arith.constant 0 : i32
      %dma_wait3A_329 = tpu.memref_slice %arg2[%dma_wait3A_327, %dma_wait3A_328] : memref<2600000x64xf32, #tpu.memory_space<hbm>> -> memref<2600000x64xf32, #tpu.memory_space<hbm>>
      %dma_wait3A_330 = tpu.memref_slice %arg7[%dma_wait3A_319] : memref<8x!tpu.dma_semaphore, #tpu.memory_space<semaphore_mem>> -> memref<1x!tpu.dma_semaphore, #tpu.memory_space<semaphore_mem>>
      %dma_wait3A_331 = tpu.memref_squeeze %dma_wait3A_330 : memref<1x!tpu.dma_semaphore, #tpu.memory_space<semaphore_mem>> -> memref<!tpu.dma_semaphore, #tpu.memory_space<semaphore_mem>>
      tpu.wait_indirect_dma semaphore(%dma_wait3A_331 : memref<!tpu.dma_semaphore, #tpu.memory_space<semaphore_mem>>) src(%dma_wait3A_329 : memref<2600000x64xf32, #tpu.memory_space<hbm>>) dst(%dma_wait3A_323 : memref<128x64xf32, #tpu.memory_space<vmem>>)
      %mul3A_332 = arith.constant 128 : i32
      %mul3A_333 = arith.muli %add3A_317, %mul3A_332 : i32
      %add3A_334 = arith.addi %mul3A_4, %mul3A_333 : i32
      %run_scoped3A_335 = arith.constant 7 : i32
      "tpu.region"() ({
        %run_scoped3A_341 = tpu.sem_alloc : memref<!tpu.dma_semaphore, #tpu.memory_space<semaphore_mem>>
        %dma_start3A_342 = arith.constant 0 : i32
        %dma_start3A_343 = arith.constant 0 : i32
        %dma_start3A_344 = tpu.memref_slice %arg6[%run_scoped3A_335, %dma_start3A_342, %dma_start3A_343] : memref<8x128x64xf32, #tpu.memory_space<vmem>> -> memref<1x128x64xf32, #tpu.memory_space<vmem>>
        %dma_start3A_345 = tpu.memref_squeeze %dma_start3A_344 : memref<1x128x64xf32, #tpu.memory_space<vmem>> -> memref<128x64xf32, #tpu.memory_space<vmem>>
        %dma_start3A_346 = arith.constant 0 : i32
        %dma_start3A_347 = tpu.memref_slice %arg4[%add3A_334, %dma_start3A_346] : memref<425984x64xf32, #tpu.memory_space<hbm>> -> memref<128x64xf32, #tpu.memory_space<hbm>>
        %dma_start3A_348 = arith.constant 0 : i32
        %dma_start3A_349 = tpu.memref_slice %arg4[%add3A_334, %dma_start3A_348] : memref<425984x64xf32, #tpu.memory_space<hbm>> -> memref<128x64xf32, #tpu.memory_space<hbm>>
        %dma_start3A_350 = arith.constant 0 : i32
        %dma_start3A_351 = arith.constant 0 : i32
        %dma_start3A_352 = tpu.memref_slice %arg6[%run_scoped3A_335, %dma_start3A_350, %dma_start3A_351] : memref<8x128x64xf32, #tpu.memory_space<vmem>> -> memref<1x128x64xf32, #tpu.memory_space<vmem>>
        %dma_start3A_353 = tpu.memref_squeeze %dma_start3A_352 : memref<1x128x64xf32, #tpu.memory_space<vmem>> -> memref<128x64xf32, #tpu.memory_space<vmem>>
        tpu.enqueue_dma source(%dma_start3A_353 : memref<128x64xf32, #tpu.memory_space<vmem>>) target(%dma_start3A_349 : memref<128x64xf32, #tpu.memory_space<hbm>>) target_semaphore(%run_scoped3A_341 : memref<!tpu.dma_semaphore, #tpu.memory_space<semaphore_mem>>)
        %dma_wait3A_354 = arith.constant 0 : i32
        %dma_wait3A_355 = arith.constant 0 : i32
        %dma_wait3A_356 = tpu.memref_slice %arg6[%run_scoped3A_335, %dma_wait3A_354, %dma_wait3A_355] : memref<8x128x64xf32, #tpu.memory_space<vmem>> -> memref<1x128x64xf32, #tpu.memory_space<vmem>>
        %dma_wait3A_357 = tpu.memref_squeeze %dma_wait3A_356 : memref<1x128x64xf32, #tpu.memory_space<vmem>> -> memref<128x64xf32, #tpu.memory_space<vmem>>
        %dma_wait3A_358 = arith.constant 0 : i32
        %dma_wait3A_359 = tpu.memref_slice %arg4[%add3A_334, %dma_wait3A_358] : memref<425984x64xf32, #tpu.memory_space<hbm>> -> memref<128x64xf32, #tpu.memory_space<hbm>>
        %dma_wait3A_360 = arith.constant 0 : i32
        %dma_wait3A_361 = tpu.memref_slice %arg4[%add3A_334, %dma_wait3A_360] : memref<425984x64xf32, #tpu.memory_space<hbm>> -> memref<128x64xf32, #tpu.memory_space<hbm>>
        %dma_wait3A_362 = arith.constant 0 : i32
        %dma_wait3A_363 = arith.constant 0 : i32
        %dma_wait3A_364 = tpu.memref_slice %arg6[%run_scoped3A_335, %dma_wait3A_362, %dma_wait3A_363] : memref<8x128x64xf32, #tpu.memory_space<vmem>> -> memref<1x128x64xf32, #tpu.memory_space<vmem>>
        %dma_wait3A_365 = tpu.memref_squeeze %dma_wait3A_364 : memref<1x128x64xf32, #tpu.memory_space<vmem>> -> memref<128x64xf32, #tpu.memory_space<vmem>>
        tpu.wait_dma2 semaphore(%run_scoped3A_341 : memref<!tpu.dma_semaphore, #tpu.memory_space<semaphore_mem>>) src(%dma_wait3A_365 : memref<128x64xf32, #tpu.memory_space<vmem>>) dst(%dma_wait3A_361 : memref<128x64xf32, #tpu.memory_space<hbm>>)
        tpu.yield
      }) : () -> ()
      %lt3A_336 = arith.constant 12 : i32
      %lt3A_337 = arith.cmpi slt, %scan3A_129, %lt3A_336 : i32
      %convert_element_type3A_338 = arith.extui %lt3A_337 : i1 to i32
      %cond3A_339 = arith.constant 0 : i32
      %cond3A_340 = arith.cmpi ne, %convert_element_type3A_338, %cond3A_339 : i32
      scf.if %cond3A_340 {
        %add3A_341 = arith.constant 8 : i32
        %add3A_342 = arith.addi %add3A_317, %add3A_341 : i32
        %dma_start3A_343 = arith.constant 7 : i32
        %dma_start3A_344 = arith.constant 7 : i32
        %dma_start3A_345 = arith.constant 0 : i32
        %dma_start3A_346 = arith.constant 0 : i32
        %dma_start3A_347 = tpu.memref_slice %arg6[%dma_start3A_343, %dma_start3A_345, %dma_start3A_346] : memref<8x128x64xf32, #tpu.memory_space<vmem>> -> memref<1x128x64xf32, #tpu.memory_space<vmem>>
        %dma_start3A_348 = tpu.memref_squeeze %dma_start3A_347 : memref<1x128x64xf32, #tpu.memory_space<vmem>> -> memref<128x64xf32, #tpu.memory_space<vmem>>
        %dma_start3A_349 = arith.constant 0 : i32
        %dma_start3A_350 = tpu.memref_slice %arg5[%add3A_342, %dma_start3A_349] : memref<104x128xi32, #tpu.memory_space<vmem>> -> memref<1x128xi32, #tpu.memory_space<vmem>>
        %dma_start3A_351 = tpu.memref_squeeze %dma_start3A_350 : memref<1x128xi32, #tpu.memory_space<vmem>> -> memref<128xi32, #tpu.memory_space<vmem>>
        %dma_start3A_352 = arith.constant 0 : i32
        %dma_start3A_353 = arith.constant 0 : i32
        %dma_start3A_354 = tpu.memref_slice %arg2[%dma_start3A_352, %dma_start3A_353] : memref<2600000x64xf32, #tpu.memory_space<hbm>> -> memref<2600000x64xf32, #tpu.memory_space<hbm>>
        %dma_start3A_355 = tpu.memref_slice %arg7[%dma_start3A_344] : memref<8x!tpu.dma_semaphore, #tpu.memory_space<semaphore_mem>> -> memref<1x!tpu.dma_semaphore, #tpu.memory_space<semaphore_mem>>
        %dma_start3A_356 = tpu.memref_squeeze %dma_start3A_355 : memref<1x!tpu.dma_semaphore, #tpu.memory_space<semaphore_mem>> -> memref<!tpu.dma_semaphore, #tpu.memory_space<semaphore_mem>>
        tpu.enqueue_indirect_dma source(%dma_start3A_354 : memref<2600000x64xf32, #tpu.memory_space<hbm>>) target(%dma_start3A_348 : memref<128x64xf32, #tpu.memory_space<vmem>>) offsets(%dma_start3A_351 : memref<128xi32, #tpu.memory_space<vmem>>) semaphore(%dma_start3A_356 : memref<!tpu.dma_semaphore, #tpu.memory_space<semaphore_mem>>)
      } else {
      }
    }
    %scan3A_128 = arith.constant 13 : i32
    return
  }
}

module attributes {stable_mosaic.version = 14 : i64} {
  func.func @mlp_k(%arg0: i32, %arg1: memref<1024x1664xf32, #tpu.memory_space<vmem>>, %arg2: memref<1024x128xf32, #tpu.memory_space<vmem>>, %arg3: memref<1664x128xf32, #tpu.memory_space<vmem>>, %arg4: memref<128x128xf32, #tpu.memory_space<vmem>>, %arg5: memref<1x128xf32, #tpu.memory_space<vmem>>, %arg6: memref<128x128xf32, #tpu.memory_space<vmem>>, %arg7: memref<1x128xf32, #tpu.memory_space<vmem>>, %arg8: memref<128x128xf32, #tpu.memory_space<vmem>>, %arg9: memref<1x128xf32, #tpu.memory_space<vmem>>, %arg10: memref<1024x128xf32, #tpu.memory_space<vmem>>) attributes {dimension_semantics = [#tpu.dimension_semantics<arbitrary>], iteration_bounds = array<i64: 16>, scalar_prefetch = 0 : i64, scratch_operands = 0 : i64, tpu.core_type = #tpu.core_type<tc>, window_params = [{transform_indices = @transform_0, window_bounds = array<i64: 1024, 1664>}, {transform_indices = @transform_1, window_bounds = array<i64: 1024, 128>}, {pipeline_mode = #tpu.pipeline_mode<synchronous>, transform_indices = @transform_2, window_bounds = array<i64: 1664, 128>}, {pipeline_mode = #tpu.pipeline_mode<synchronous>, transform_indices = @transform_3, window_bounds = array<i64: 128, 128>}, {pipeline_mode = #tpu.pipeline_mode<synchronous>, transform_indices = @transform_4, window_bounds = array<i64: 1, 128>}, {pipeline_mode = #tpu.pipeline_mode<synchronous>, transform_indices = @transform_5, window_bounds = array<i64: 128, 128>}, {pipeline_mode = #tpu.pipeline_mode<synchronous>, transform_indices = @transform_6, window_bounds = array<i64: 1, 128>}, {pipeline_mode = #tpu.pipeline_mode<synchronous>, transform_indices = @transform_7, window_bounds = array<i64: 128, 128>}, {pipeline_mode = #tpu.pipeline_mode<synchronous>, transform_indices = @transform_8, window_bounds = array<i64: 1, 128>}, {transform_indices = @transform_9, window_bounds = array<i64: 1024, 128>}]} {
    %get3A = arith.constant 0 : index
    %get3A_0 = arith.constant 0 : index
    %get3A_1 = vector.load %arg1[%get3A, %get3A_0] : memref<1024x1664xf32, #tpu.memory_space<vmem>>, vector<1024x1664xf32>
    %get3A_2 = arith.constant 0 : index
    %get3A_3 = arith.constant 0 : index
    %get3A_4 = vector.load %arg3[%get3A_2, %get3A_3] : memref<1664x128xf32, #tpu.memory_space<vmem>>, vector<1664x128xf32>
    %dot_general3A = arith.constant dense<0.000000e+00> : vector<1024x128xf32>
    %dot_general3A_5 = tpu.matmul %get3A_1, %get3A_4, %dot_general3A {dimension_numbers = #tpu.dot_dimension_numbers<[1], [0], [0], [1], [0, 0, 1, 1], [], []>, transpose_lhs_hint = false} : vector<1024x1664xf32>, vector<1664x128xf32>, vector<1024x128xf32> -> vector<1024x128xf32>
    %get3A_6 = arith.constant 0 : index
    %get3A_7 = arith.constant 0 : index
    %get3A_8 = vector.load %arg2[%get3A_6, %get3A_7] : memref<1024x128xf32, #tpu.memory_space<vmem>>, vector<1024x128xf32>
    %get3A_9 = arith.constant 0 : index
    %get3A_10 = arith.constant 0 : index
    %get3A_11 = vector.load %arg4[%get3A_9, %get3A_10] : memref<128x128xf32, #tpu.memory_space<vmem>>, vector<128x128xf32>
    %dot_general3A_12 = arith.constant dense<0.000000e+00> : vector<1024x128xf32>
    %dot_general3A_13 = tpu.matmul %get3A_8, %get3A_11, %dot_general3A_12 {dimension_numbers = #tpu.dot_dimension_numbers<[1], [0], [0], [1], [0, 0, 1, 1], [], []>, transpose_lhs_hint = false} : vector<1024x128xf32>, vector<128x128xf32>, vector<1024x128xf32> -> vector<1024x128xf32>
    %add3A = arith.addf %dot_general3A_5, %dot_general3A_13 : vector<1024x128xf32>
    %get3A_14 = arith.constant 0 : index
    %get3A_15 = arith.constant 0 : index
    %get3A_16 = vector.load %arg5[%get3A_14, %get3A_15] : memref<1x128xf32, #tpu.memory_space<vmem>>, vector<1x128xf32>
    %add3A_17 = vector.broadcast %get3A_16 : vector<1x128xf32> to vector<1024x128xf32>
    %add3A_18 = arith.addf %add3A, %add3A_17 : vector<1024x128xf32>
    %max3A = arith.constant 0.000000e+00 : f32
    %max3A_19 = vector.broadcast %max3A : f32 to vector<1024x128xf32>
    %max3A_20 = arith.maximumf %add3A_18, %max3A_19 : vector<1024x128xf32>
    %get3A_21 = arith.constant 0 : index
    %get3A_22 = arith.constant 0 : index
    %get3A_23 = vector.load %arg6[%get3A_21, %get3A_22] : memref<128x128xf32, #tpu.memory_space<vmem>>, vector<128x128xf32>
    %dot_general3A_24 = arith.constant dense<0.000000e+00> : vector<1024x128xf32>
    %dot_general3A_25 = tpu.matmul %max3A_20, %get3A_23, %dot_general3A_24 {dimension_numbers = #tpu.dot_dimension_numbers<[1], [0], [0], [1], [0, 0, 1, 1], [], []>, transpose_lhs_hint = false} : vector<1024x128xf32>, vector<128x128xf32>, vector<1024x128xf32> -> vector<1024x128xf32>
    %get3A_26 = arith.constant 0 : index
    %get3A_27 = arith.constant 0 : index
    %get3A_28 = vector.load %arg7[%get3A_26, %get3A_27] : memref<1x128xf32, #tpu.memory_space<vmem>>, vector<1x128xf32>
    %add3A_29 = vector.broadcast %get3A_28 : vector<1x128xf32> to vector<1024x128xf32>
    %add3A_30 = arith.addf %dot_general3A_25, %add3A_29 : vector<1024x128xf32>
    %max3A_31 = arith.constant 0.000000e+00 : f32
    %max3A_32 = vector.broadcast %max3A_31 : f32 to vector<1024x128xf32>
    %max3A_33 = arith.maximumf %add3A_30, %max3A_32 : vector<1024x128xf32>
    %get3A_34 = arith.constant 0 : index
    %get3A_35 = arith.constant 0 : index
    %get3A_36 = vector.load %arg8[%get3A_34, %get3A_35] : memref<128x128xf32, #tpu.memory_space<vmem>>, vector<128x128xf32>
    %dot_general3A_37 = arith.constant dense<0.000000e+00> : vector<1024x128xf32>
    %dot_general3A_38 = tpu.matmul %max3A_33, %get3A_36, %dot_general3A_37 {dimension_numbers = #tpu.dot_dimension_numbers<[1], [0], [0], [1], [0, 0, 1, 1], [], []>, transpose_lhs_hint = false} : vector<1024x128xf32>, vector<128x128xf32>, vector<1024x128xf32> -> vector<1024x128xf32>
    %get3A_39 = arith.constant 0 : index
    %get3A_40 = arith.constant 0 : index
    %get3A_41 = vector.load %arg9[%get3A_39, %get3A_40] : memref<1x128xf32, #tpu.memory_space<vmem>>, vector<1x128xf32>
    %add3A_42 = vector.broadcast %get3A_41 : vector<1x128xf32> to vector<1024x128xf32>
    %add3A_43 = arith.addf %dot_general3A_38, %add3A_42 : vector<1024x128xf32>
    %swap3A = arith.constant 0 : index
    %swap3A_44 = arith.constant 0 : index
    %swap3A_45 = vector.load %arg10[%swap3A, %swap3A_44] : memref<1024x128xf32, #tpu.memory_space<vmem>>, vector<1024x128xf32>
    tpu.vector_store %arg10[%swap3A, %swap3A_44], %add3A_43 {strides = array<i32>} : memref<1024x128xf32, #tpu.memory_space<vmem>>, vector<1024x128xf32>,
    return
  }
  func.func @transform_0(%arg0: i32) -> (i32, i32) {
    %c0_i32 = arith.constant 0 : i32
    %c0_i32_0 = arith.constant 0 : i32
    return %arg0, %c0_i32 : i32, i32
  }
  func.func @transform_1(%arg0: i32) -> (i32, i32) {
    %c0_i32 = arith.constant 0 : i32
    %c0_i32_0 = arith.constant 0 : i32
    return %arg0, %c0_i32 : i32, i32
  }
  func.func @transform_2(%arg0: i32) -> (i32, i32) {
    %c0_i32 = arith.constant 0 : i32
    %c0_i32_0 = arith.constant 0 : i32
    %c0_i32_1 = arith.constant 0 : i32
    return %c0_i32, %c0_i32_0 : i32, i32
  }
  func.func @transform_3(%arg0: i32) -> (i32, i32) {
    %c0_i32 = arith.constant 0 : i32
    %c0_i32_0 = arith.constant 0 : i32
    %c0_i32_1 = arith.constant 0 : i32
    return %c0_i32, %c0_i32_0 : i32, i32
  }
  func.func @transform_4(%arg0: i32) -> (i32, i32) {
    %c0_i32 = arith.constant 0 : i32
    %c0_i32_0 = arith.constant 0 : i32
    %c0_i32_1 = arith.constant 0 : i32
    return %c0_i32, %c0_i32_0 : i32, i32
  }
  func.func @transform_5(%arg0: i32) -> (i32, i32) {
    %c0_i32 = arith.constant 0 : i32
    %c0_i32_0 = arith.constant 0 : i32
    %c0_i32_1 = arith.constant 0 : i32
    return %c0_i32, %c0_i32_0 : i32, i32
  }
  func.func @transform_6(%arg0: i32) -> (i32, i32) {
    %c0_i32 = arith.constant 0 : i32
    %c0_i32_0 = arith.constant 0 : i32
    %c0_i32_1 = arith.constant 0 : i32
    return %c0_i32, %c0_i32_0 : i32, i32
  }
  func.func @transform_7(%arg0: i32) -> (i32, i32) {
    %c0_i32 = arith.constant 0 : i32
    %c0_i32_0 = arith.constant 0 : i32
    %c0_i32_1 = arith.constant 0 : i32
    return %c0_i32, %c0_i32_0 : i32, i32
  }
  func.func @transform_8(%arg0: i32) -> (i32, i32) {
    %c0_i32 = arith.constant 0 : i32
    %c0_i32_0 = arith.constant 0 : i32
    %c0_i32_1 = arith.constant 0 : i32
    return %c0_i32, %c0_i32_0 : i32, i32
  }
  func.func @transform_9(%arg0: i32) -> (i32, i32) {
    %c0_i32 = arith.constant 0 : i32
    %c0_i32_0 = arith.constant 0 : i32
    return %arg0, %c0_i32 : i32, i32
  }
}

</mosaic_0001>

<sc_bundles>
// kernel: kernel.4.cloned.1.call-start
scs
__scs_entry_jumppad:
0x0: {  	(pc) =	sbr.rel $0x88, $3  }
0x1: {  	(tag) =	ssettag $0x0;
	lr =	simm.s32 $0x1  }
0x2: {  	[smem:$0x3F98] =	sst lr;
	_ =	strace $0xD0000000  }
0x3: {  	_ = 	snop  }
0x4: {  	_ = 	snop  }
0x5: {  	_ = 	snop  }
0x6: {  	_ = 	snop  }
0x7: {  	_ = 	snop  }
__scs_overlays_trampoline_lowered:
0x8: {  	[smem:$0x3FA7] =	sst s0  }
0x9: {  	[smem:$0x3FA8] =	sst s1  }
0xa: {  	[smem:$0x3FA9] =	sst s2  }
0xb: {  	[smem:$0x3FAA] =	sst s3  }
0xc: {  	[smem:$0x3FAB] =	sst s4  }
0xd: {  	[smem:$0x3FAC] =	sst s5  }
0xe: {  	[smem:$0x3FAD] =	sst s6  }
0xf: {  	[smem:$0x3FAE] =	sst s7  }
0x10: {  	[smem:$0x3FAF] =	sst s8  }
0x11: {  	[smem:$0x3FB0] =	sst s9;
	s0 =	simm.s32 @!p0 $0x0  }
0x12: {  	s1 =	sld [smem:$0x3F96];
	s0 =	simm.s32 @p0 $0x1  }
0x13: {  	[smem:$0x3FB1] =	sst s0;
	s0 =	simm.s32 @!p1 $0x0  }
0x14: {  	s2 =	sld [smem:$0x3F95];
	s0 =	simm.s32 @p1 $0x1  }
0x15: {  	[smem:$0x3FB2] =	sst s0;
	s0 =	simm.s32 @!p2 $0x0  }
0x16: {  	s3 =	sld [smem:$0x3FDB];
	s0 =	simm.s32 @p2 $0x1  }
0x17: {  	s4 =	simm.s32 $0x1BF5;
	[smem:$0x3FB4] =	sst s0  }
0x18: {  	s0 =	sld [smem:$0x3F97];
	_ =	swait.ge [sflag:s4], $0x0  }
0x19: {  	s7 =	sld [smem:$0x3F98]  }
0x1a: {  	s8 =	sadd.s32 $0xFFFFE003, lr  }
0x1b: {  	s9 =	sadd.s32 $0xFFFFFEF7, lr;
	s5 =	simm.s32 $0xFFFFFFFF;
	p2 =	slt.u32 s8, $0xFFFFF086  }
0x1c: {  	p1 =	slt.u32 s9, $0xF7A;
	s5 =	simm.s32 @!p2 $0x0  }
0x1d: {  	s5 =	simm.s32 @p1 $0x1;
	p0 =	seq.s32 s7, s2  }
0x1e: {  	s7 =	smul.u32 @!p0 $0xF7A, s2;
	p2 =	seq.s32 @!p0 s5, $0x0  }
0x1f: {  	s9 =	smul.u32 $0xF7A, s1;
	s8 =	simm.s32 @!p0 $0x1BF5;
	p2 =	por !p2, p0  }
0x20: {  	[sflag:s8] =	ssyncset.s32 @!p0 $0xFFFFF086;
	s6 =	sadd.s32 @!p0 s3, s7;
	s7 =	simm.s32 @!p0 $0x108  }
0x21: {  	s3 =	sadd.s32 s3, s9;
	s6 =	sadd.s32 @!p0 $0x88, s6;
	s7 =	simm.s32 @p2 $0x1082  }
0x22: {  	[simem:s7], [sflag:s8] =	dma.local @!p0 [hbm:s6], $0xF7A  }
0x23: {  	s9 =	sor.u32 $0xD0000000, s2;
	s6 =	simm.s32 $0x108;
	_ =	swait.ge @!p0 [sflag:s8], $0x0  }
0x24: {  	s3 =	sadd.s32 $0x88, s3;
	s6 =	simm.s32 @!p1 $0x1082;
	[sflag:s4] =	ssyncset.s32 $0xFFFFF086  }
0x25: {  	[simem:s6], [sflag:s4] =	dma.local [hbm:s3], $0xF7A  }
0x26: {  	[smem:$0x3F98] =	sst s1;
	(tag) =	ssettag s2;
	_ =	strace s9  }
0x27: {  	s1 =	sld [smem:$0x3FA8]  }
0x28: {  	s2 =	sld [smem:$0x3FA9]  }
0x29: {  	s4 =	sld [smem:$0x3FAB]  }
0x2a: {  	p0 =	seq.s32 s5, $0x0;
	s5 =	sld [smem:$0x3FAC]  }
0x2b: {  	s6 =	sld [smem:$0x3FAD]  }
0x2c: {  	s7 =	sld [smem:$0x3FAE]  }
0x2d: {  	s3 =	simm.s32 $0x108;
	s8 =	sld [smem:$0x3FAF]  }
0x2e: {  	s3 =	simm.s32 @!p0 $0x1082;
	s9 =	sld [smem:$0x3FB0]  }
0x2f: {  	lr =	sadd.s32 s0, s3;
	s0 =	sld [smem:$0x3FA7]  }
0x30: {  	s3 =	sld [smem:$0x3FAA]  }
0x31: {  	[smem:$0x3FB3] =	sst s10  }
0x32: {  	s10 =	sld [smem:$0x3FB1];
	_ =	sdelay $0x3  }
0x33: {  	p0 =	seq.s32 s10, $0x1;
	s10 =	sld [smem:$0x3FB3];
	_ =	sdelay $0x3  }
0x34: {  	[smem:$0x3FB3] =	sst s10  }
0x35: {  	s10 =	sld [smem:$0x3FB2];
	_ =	sdelay $0x3  }
0x36: {  	p1 =	seq.s32 s10, $0x1;
	s10 =	sld [smem:$0x3FB3];
	_ =	sdelay $0x3  }
0x37: {  	[smem:$0x3FB3] =	sst s10  }
0x38: {  	s10 =	sld [smem:$0x3FB4]  }
0x39: {  	_ = 	snop;
	(pc) =	sbr.ind lr, $3  }
0x3a: {  	_ = 	snop  }
0x3b: {  	_ = 	snop  }
0x3c: {  	p2 =	seq.s32 s10, $0x1;
	s10 =	sld [smem:$0x3FB3]  }
0x3d: {  	_ =	shalt  }
0x3e: {  	_ =	shalt  }
0x3f: {  	_ =	shalt  }
0x40: {  	_ =	shalt  }
0x41: {  	_ =	shalt  }
0x42: {  	_ =	shalt  }
0x43: {  	_ =	shalt  }
0x44: {  	_ =	shalt  }
0x45: {  	_ =	shalt  }
0x46: {  	_ =	shalt  }
0x47: {  	_ =	shalt  }
0x48: {  	_ =	shalt  }
0x49: {  	_ =	shalt  }
0x4a: {  	_ =	shalt  }
0x4b: {  	_ =	shalt  }
0x4c: {  	_ =	shalt  }
0x4d: {  	_ =	shalt  }
0x4e: {  	_ =	shalt  }
0x4f: {  	_ =	shalt  }
0x50: {  	_ =	shalt  }
0x51: {  	_ =	shalt  }
0x52: {  	_ =	shalt  }
0x53: {  	_ =	shalt  }
0x54: {  	_ =	shalt  }
0x55: {  	_ =	shalt  }
0x56: {  	_ =	shalt  }
0x57: {  	_ =	shalt  }
0x58: {  	_ =	shalt  }
0x59: {  	_ =	shalt  }
0x5a: {  	_ =	shalt  }
0x5b: {  	_ =	shalt  }
0x5c: {  	_ =	shalt  }
0x5d: {  	_ =	shalt  }
0x5e: {  	_ =	shalt  }
0x5f: {  	_ =	shalt  }
0x60: {  	_ =	shalt  }
0x61: {  	_ =	shalt  }
0x62: {  	_ =	shalt  }
0x63: {  	_ =	shalt  }
0x64: {  	_ =	shalt  }
0x65: {  	_ =	shalt  }
0x66: {  	_ =	shalt  }
0x67: {  	_ =	shalt  }
0x68: {  	_ =	shalt  }
0x69: {  	_ =	shalt  }
0x6a: {  	_ =	shalt  }
0x6b: {  	_ =	shalt  }
0x6c: {  	_ =	shalt  }
0x6d: {  	_ =	shalt  }
0x6e: {  	_ =	shalt  }
0x6f: {  	_ =	shalt  }
0x70: {  	_ =	shalt  }
0x71: {  	_ =	shalt  }
0x72: {  	_ =	shalt  }
0x73: {  	_ =	shalt  }
0x74: {  	_ =	shalt  }
0x75: {  	_ =	shalt  }
0x76: {  	_ =	shalt  }
0x77: {  	_ =	shalt  }
0x78: {  	_ =	shalt  }
0x79: {  	_ =	shalt  }
0x7a: {  	_ =	shalt  }
0x7b: {  	_ =	shalt  }
0x7c: {  	_ =	shalt  }
0x7d: {  	_ =	shalt  }
0x7e: {  	_ =	shalt  }
0x7f: {  	_ =	shalt  }
0x80: {  	_ =	shalt  }
0x81: {  	_ =	shalt  }
0x82: {  	_ =	shalt  }
0x83: {  	_ =	shalt  }
0x84: {  	_ =	shalt  }
0x85: {  	_ =	shalt  }
0x86: {  	_ =	shalt  }
0x87: {  	_ =	shalt  }
.Lfunc_end0:
.L_simem_size_0:
called_computation_lowered:
.L_overlay_start_0:
0x88: {  	s2 =	sld [smem:$0x3FD9]  }
0x89: {  	s3 =	sld [smem:$0x3FFE];
	_ =	sdelay $0x1  }
0x8a: {  	s1 =	srdreg.scid  }
0x8b: {  	s0 =	sand.u32 $0x1, s1  }
0x8c: {  	s16 =	sshll.u32 s0, $0xA;
	s2 =	sadd.s32 s3, s2  }
0x8d: {  	s2 =	sadd.s32 s2, s16  }
0x8e: {  	[smem:$0x3FBF] =	sst s2  }
0x8f: {  	_ = 	snop  }
0x90: {  	(tm) =	ssettm $0x1  }
0x91: {  	s17 =	sld [smem:$0x3FFB];
	_ =	sdelay $0x3  }
0x92: {  	_ =	strace s17  }
0x93: {  	s2 =	sld [smem:$0x3FFC];
	_ =	sdelay $0x3  }
0x94: {  	_ =	strace s2  }
0x95: {  	s2 =	sld [smem:$0x3FFD];
	_ =	sdelay $0x3  }
0x96: {  	_ =	strace s2  }
0x97: {  	_ =	strace $0x8FFFFFFF  }
0x98: {  	s18 =	sld [smem:$0x3FDB];
	_ =	sdelay $0x1  }
0x99: {  	s19 =	simm.s32 $_scs_section_size  }
0x9a: {  	s4 =	simm.s32 $_size__tile_overlayer_lowered;
	s5 =	simm.s32 $_tile_overlayer_lowered  }
0x9b: {  	s22 =	simm.s32 $0x1BFF;
	s21 =	sshll.u32 s5, $0x1;
	s2 =	sadd.s32 s19, s18  }
0x9c: {  	s6 =	simm.s32 $0x0;
	s20 =	sshll.u32 s4, $0x1;
	s4 =	sadd.s32 s21, s2  }
0x9d: {  	[timem:s6], [sflag:s22] =	dma.local [hbm:s4], s20  }
0x9e: {  	_ =	swait.ge [sflag:s22], s20  }
0x9f: {  	s3 =	ssub.s32 $0x0, s20;
	[sflag:s22] =	ssyncset.done $0x0  }
0xa0: {  	[sflag:s22] =	ssyncadd.s32 s3;
	_ =	sdelay $0x1  }
0xa1: {  	s23 =	simm.s32 $0x1B8B  }
0xa2: {  	_ =	swait.ge [sflag:s23], $0x1  }
0xa3: {  	[sflag:s23] =	ssyncset.done $0x0  }
0xa4: {  	s25 =	simm.s32 $0x1B8E;
	s24 =	sld [smem:$0x3FFE];
	[sflag:s23] =	ssyncadd.s32 $0xFFFFFFFF  }
0xa5: {  	s26 =	simm.s32 $execute0_lowered;
	[smem:$0x3FD2] =	sst s25  }
0xa6: {  	s4 =	sshll.u32 s26, $0x1;
	_ =	strace $0x80000046;
	[dreg:$0x1] =	wrdreg $0xFFFFFFFF  }
0xa7: {  	s28 =	simm.s32 $_size_execute0_lowered;
	s2 =	sadd.s32 s2, s4;
	[dreg:$0x0] =	wrdreg $0x0  }
0xa8: {  	s4 =	sshll.u32 s28, $0x1;
	[dreg:$0x2] =	wrdreg s2  }
0xa9: {  	[dreg:$0x3] =	wrdreg s4  }
0xaa: {  	[dreg:$0x4] =	wrdreg $0xC0  }
0xab: {  	_ =	task [dreg:s6], $0x5FFFF  }
0xac: {  	[dreg:$0x1] =	wrdreg $0xFFFFFFFF  }
0xad: {  	[dreg:$0x0] =	wrdreg $0x60  }
0xae: {  	[dreg:$0x2] =	wrdreg s24  }
0xaf: {  	[dreg:$0x3] =	wrdreg $0x9  }
0xb0: {  	_ =	task.clear_ibuf [dreg:s6], $0x4FFFF;
	_ =	strace $0x90000046  }
0xb1: {  	s29 =	simm.s32 $0x9;
	_ =	strace $0x80000048  }
0xb2: {  	_ =	swait.ge [sflag:s29], $0x1  }
0xb3: {  	[sflag:s29] =	ssyncadd.s32 $0xFFFFFFFF  }
0xb4: {  	_ =	strace $0x90000048  }
0xb5: {  	_ =	sfence  }
0xb6: {  	s30 =	sld [smem:$0x0];
	_ =	sdelay $0x2  }
0xb7: {  	s31 =	sshll.u32 s1, $0xD;
	s1 =	sshrl.u32 s1, $0x2  }
0xb8: {  	s3 =	sand.u32 $0x4000, s31;
	s1 =	sadd.s32 s1, s30  }
0xb9: {  	s0 =	sor.u32 s3, s0;
	s1 =	sshll.u32 s1, $0x11  }
0xba: {  	s0 =	sor.u32 s1, s0  }
0xbb: {  	s0 =	sadd.s32 $0x8F2B, s0  }
0xbc: {  	[sflag:s0] =	ssyncadd.remote.s32 $0x1  }
0xbd: {  	_ =	sfence.sel $0xFFFF  }
0xbe: {  	[dreg:$0x0] =	wrdreg $0xFFFFFFFF;
	(pc) =	sbr.abs _section_cstart, $3  }
0xbf: {  	[dreg:$0x1] =	wrdreg $0xFFFFFFFF  }
0xc0: {  	_ =	task.clear_ibuf [dreg:s6], $0x2FFFF;
	_ =	strace $0x9FFFFFFF  }
0xc1: {  	(tm) =	ssettm $0x7FFFFFFF  }
tec
execute0_lowered:
.L_overlay_start_1:
0x0: {  	(tag) =	ssettag $0x1  }
0x1: {  	s0 =	srdreg.scid;
	s6 =	stileid.u32  }
0x2: {  	s1 =	rddreg [dreg:$0x0];
	s2 =	simm.s32 $0x0;
	s15 =	simm.s32 $0x9  }
0x3: {  	s16 =	simm.s32 $0x80;
	s22 =	simm.s32 $0x9400;
	s29 =	simm.s32 $0xF400  }
0x4: {  	s31 =	simm.s32 $0x11400;
	s19 =	simm.s32 $0x3;
	s21 =	simm.s32 $0x4  }
0x5: {  	s23 =	simm.s32 $0x5;
	s28 =	simm.s32 $0x7;
	s5 =	smul.u32 $0x1A0000, s6  }
0x6: {  	s0 =	sand.u32 $0x1, s0;
	s3 =	sshll.u32 s6, $0x1;
	s6 =	smul.u32 $0x6800, s6  }
0x7: {  	[smem:$0x7FF] =	sst s2;
	s3 =	sor.u32 s0, s3;
	s8 =	smul.u32 $0x3400, s0  }
0x8: {  	_ =	strace $0x80000047;
	s7 =	ssub.s32 $0x2, s0;
	s0 =	smul.u32 $0xD0000, s0  }
0x9: {  	s30 =	simm.s32 $0x8;
	s4 =	smul.u32 $0x680, s3;
	s3 =	sadd.s32 $0x27AD800, s1  }
0xa: {  	s24 =	sshrl.u32 s7, $0x1;
	s25 =	sadd.s32 s8, s6;
	s0 =	sadd.s32 s0, s5  }
0xb: {  	s5 =	simm.s32 $0x0;
	s4 =	sadd.s32 s4, s1;
	s1 =	sadd.s32 $0xE400, s1  }
0xc: {  	s26 =	sshll.u32 s25, $0x3;
	s25 =	simm.s32 $0x6;
	[dreg:$0x2] =	wrdreg s1  }
0xd: {  	s1 =	ssub.s32 s7, s24;
	s4 =	sadd.s32 $0x1400, s4;
	s7 =	sshrl.u32 s0, $0x3  }
.Ltmp0:
0xe: {  	s8 =	sor.u32 $0x1C00, s26;
	s9 =	sor.u32 $0x1800, s26;
	(pc) =	sbr.rel .LBB2_1-.Ltmp0, $4  }
0xf: {  	s10 =	sor.u32 $0x1400, s26;
	s11 =	sor.u32 $0x1000, s26;
	s12 =	sor.u32 $0xC00, s26  }
0x10: {  	s13 =	sor.u32 $0x800, s26;
	s14 =	sor.u32 $0x400, s26;
	s24 =	simm.s32 $0xB400  }
0x11: {  	s26 =	simm.s32 $0xD400;
	[dreg:$0x3] =	wrdreg s4;
	s1 =	smax.u32 s1, $0x1  }
0x12: {  	s0 =	simm.s32 $0x2;
	[dreg:$0x4] =	wrdreg s1;
	s1 =	simm.s32 $0x1  }
.LBB2_4:
0x13: {  	s5 =	rddreg [dreg:$0x5]  }
0x14: {  	s4 =	rddreg [dreg:$0x4];
	s5 =	sadd.s32 $0x1, s5  }
0x15: {  	p0 =	sne.s32 s5, s4  }
.Ltmp1:
0x16: {  	_ = 	snop;
	(pc) =	sbr.rel @!p0 .LBB2_5-.Ltmp1, $1  }
0x17: {  	_ =	sdelay $0x3  }
.LBB2_1:
0x18: {  	[dreg:$0x5] =	wrdreg s5  }
0x19: {  	s4 =	rddreg [dreg:$0x3]  }
0x1a: {  	[tilespmem:s2], [sflag:$0x9] =	stream.linear.gather [hbm4b:s4+s2], $0x3400, $0x38;
	[tilespmem:$0x13400] =	vst v63  }
0x1b: {  	_ =	swait.ge [sflag:s15], $0x3400  }
0x1c: {  	[sflag:s15] =	ssyncset.done $0x0  }
0x1d: {  	s6 =	simm.s32 $0x3400;
	[sflag:s15] =	ssyncadd.s32 $0xFFFFCC00  }
0x1e: {  	[tilespmem:s6], [sflag:$0x1] =	stream.indirect.gather [hbm4b:s3+s16], $0x40, s2, s16, $0xb8;
	[tilespmem:$0x13400] =	vst v63  }
0x1f: {  	s17 =	simm.s32 $0x5400  }
0x20: {  	[tilespmem:s17], [sflag:$0x2] =	stream.indirect.gather [hbm4b:s3+s16], $0x40, s16, s16, $0xb8;
	[tilespmem:$0x13400] =	vst v63  }
0x21: {  	s18 =	simm.s32 $0x100;
	s20 =	simm.s32 $0x7400  }
0x22: {  	[tilespmem:s20], [sflag:$0x3] =	stream.indirect.gather [hbm4b:s3+s16], $0x40, s18, s16, $0xb8;
	[tilespmem:$0x13400] =	vst v63  }
0x23: {  	s5 =	simm.s32 $0x180  }
0x24: {  	[tilespmem:s22], [sflag:$0x4] =	stream.indirect.gather [hbm4b:s3+s16], $0x40, s5, s16, $0xb8;
	[tilespmem:$0x13400] =	vst v63  }
0x25: {  	s6 =	simm.s32 $0x200  }
0x26: {  	[tilespmem:s24], [sflag:$0x5] =	stream.indirect.gather [hbm4b:s3+s16], $0x40, s6, s16, $0xb8;
	[tilespmem:$0x13400] =	vst v63  }
0x27: {  	s17 =	simm.s32 $0x280  }
0x28: {  	[tilespmem:s26], [sflag:$0x6] =	stream.indirect.gather [hbm4b:s3+s16], $0x40, s17, s16, $0xb8;
	[tilespmem:$0x13400] =	vst v63  }
0x29: {  	s18 =	simm.s32 $0x300  }
0x2a: {  	[tilespmem:s29], [sflag:$0x7] =	stream.indirect.gather [hbm4b:s3+s16], $0x40, s18, s16, $0xb8;
	[tilespmem:$0x13400] =	vst v63  }
0x2b: {  	s20 =	simm.s32 $0x380;
	s5 =	rddreg [dreg:$0x2];
	s6 =	simm.s32 $0x0  }
0x2c: {  	[tilespmem:s31], [sflag:$0x8] =	stream.indirect.gather [hbm4b:s3+s16], $0x40, s20, s16, $0xb8;
	[tilespmem:$0x13400] =	vst v63  }
.LBB2_2:
0x2d: {  	_ =	swait.ge [sflag:s1], $0x2000  }
0x2e: {  	[sflag:s1] =	ssyncset.done $0x0  }
0x2f: {  	s4 =	sadd.s32 s5, s7;
	s17 =	simm.s32 $0x3400;
	[sflag:s1] =	ssyncadd.s32 $0xFFFFE000  }
0x30: {  	[hbm4b:s4+s2] =	stream.linear.scatter [tilespmem:s17], [sflag:$0x9], $0x2000, $0x38;
	[tilespmem:$0x13400] =	vst v63  }
0x31: {  	p0 =	seq.s32 s6, $0xC000;
	_ =	swait.ge [sflag:s15], $0x2000  }
0x32: {  	s20 =	simm.s32 @!p0 $0x3400;
	s4 =	sshra.s32 @!p0 s6, $0x2;
	[sflag:s15] =	ssyncset.done $0x0  }
0x33: {  	s17 =	simm.s32 @!p0 $0x80;
	s18 =	sadd.s32 @!p0 $0x400, s4;
	[sflag:s15] =	ssyncadd.s32 $0xFFFFE000  }
0x34: {  	[tilespmem:s20], [sflag:$0x1] =	stream.indirect.gather @!p0 [hbm4b:s3+s17], $0x40, s18, s17, $0xb8;
	[tilespmem:$0x13400] =	vst v63  }
0x35: {  	_ =	swait.ge [sflag:s0], $0x2000  }
0x36: {  	[sflag:s0] =	ssyncset.done $0x0  }
0x37: {  	s18 =	sadd.s32 s5, s14;
	s20 =	simm.s32 $0x5400;
	[sflag:s0] =	ssyncadd.s32 $0xFFFFE000  }
0x38: {  	[hbm4b:s18+s2] =	stream.linear.scatter [tilespmem:s20], [sflag:$0x9], $0x2000, $0x38;
	[tilespmem:$0x13400] =	vst v63  }
0x39: {  	_ =	swait.ge [sflag:s15], $0x2000  }
0x3a: {  	[sflag:s15] =	ssyncset.done $0x0  }
0x3b: {  	s18 =	sadd.s32 @!p0 $0x480, s4;
	s20 =	simm.s32 @!p0 $0x5400;
	[sflag:s15] =	ssyncadd.s32 $0xFFFFE000  }
0x3c: {  	[tilespmem:s20], [sflag:$0x2] =	stream.indirect.gather @!p0 [hbm4b:s3+s17], $0x40, s18, s17, $0xb8;
	[tilespmem:$0x13400] =	vst v63  }
0x3d: {  	_ =	swait.ge [sflag:s19], $0x2000  }
0x3e: {  	[sflag:s19] =	ssyncset.done $0x0  }
0x3f: {  	s18 =	sadd.s32 s5, s13;
	s20 =	simm.s32 $0x7400;
	[sflag:s19] =	ssyncadd.s32 $0xFFFFE000  }
0x40: {  	[hbm4b:s18+s2] =	stream.linear.scatter [tilespmem:s20], [sflag:$0x9], $0x2000, $0x38;
	[tilespmem:$0x13400] =	vst v63  }
0x41: {  	_ =	swait.ge [sflag:s15], $0x2000  }
0x42: {  	[sflag:s15] =	ssyncset.done $0x0  }
0x43: {  	s18 =	sadd.s32 @!p0 $0x500, s4;
	s20 =	simm.s32 @!p0 $0x7400;
	[sflag:s15] =	ssyncadd.s32 $0xFFFFE000  }
0x44: {  	[tilespmem:s20], [sflag:$0x3] =	stream.indirect.gather @!p0 [hbm4b:s3+s17], $0x40, s18, s17, $0xb8;
	[tilespmem:$0x13400] =	vst v63  }
0x45: {  	_ =	swait.ge [sflag:s21], $0x2000  }
0x46: {  	[sflag:s21] =	ssyncset.done $0x0  }
0x47: {  	s20 =	sadd.s32 s5, s12;
	[sflag:s21] =	ssyncadd.s32 $0xFFFFE000  }
0x48: {  	[hbm4b:s20+s2] =	stream.linear.scatter [tilespmem:s22], [sflag:$0x9], $0x2000, $0x38;
	[tilespmem:$0x13400] =	vst v63  }
0x49: {  	_ =	swait.ge [sflag:s15], $0x2000  }
0x4a: {  	[sflag:s15] =	ssyncset.done $0x0  }
0x4b: {  	s18 =	sadd.s32 @!p0 $0x580, s4;
	s20 =	simm.s32 @!p0 $0x9400;
	[sflag:s15] =	ssyncadd.s32 $0xFFFFE000  }
0x4c: {  	[tilespmem:s20], [sflag:$0x4] =	stream.indirect.gather @!p0 [hbm4b:s3+s17], $0x40, s18, s17, $0xb8;
	[tilespmem:$0x13400] =	vst v63  }
0x4d: {  	_ =	swait.ge [sflag:s23], $0x2000  }
0x4e: {  	[sflag:s23] =	ssyncset.done $0x0  }
0x4f: {  	s20 =	sadd.s32 s5, s11;
	[sflag:s23] =	ssyncadd.s32 $0xFFFFE000  }
0x50: {  	[hbm4b:s20+s2] =	stream.linear.scatter [tilespmem:s24], [sflag:$0x9], $0x2000, $0x38;
	[tilespmem:$0x13400] =	vst v63  }
0x51: {  	_ =	swait.ge [sflag:s15], $0x2000  }
0x52: {  	[sflag:s15] =	ssyncset.done $0x0  }
0x53: {  	s18 =	sadd.s32 @!p0 $0x600, s4;
	s20 =	simm.s32 @!p0 $0xB400;
	[sflag:s15] =	ssyncadd.s32 $0xFFFFE000  }
0x54: {  	[tilespmem:s20], [sflag:$0x5] =	stream.indirect.gather @!p0 [hbm4b:s3+s17], $0x40, s18, s17, $0xb8;
	[tilespmem:$0x13400] =	vst v63  }
0x55: {  	_ =	swait.ge [sflag:s25], $0x2000  }
0x56: {  	[sflag:s25] =	ssyncset.done $0x0  }
0x57: {  	s20 =	sadd.s32 s5, s10;
	[sflag:s25] =	ssyncadd.s32 $0xFFFFE000  }
0x58: {  	[hbm4b:s20+s2] =	stream.linear.scatter [tilespmem:s26], [sflag:$0x9], $0x2000, $0x38;
	[tilespmem:$0x13400] =	vst v63  }
0x59: {  	_ =	swait.ge [sflag:s15], $0x2000  }
0x5a: {  	[sflag:s15] =	ssyncset.done $0x0  }
0x5b: {  	s18 =	sadd.s32 @!p0 $0x680, s4;
	s20 =	simm.s32 @!p0 $0xD400;
	[sflag:s15] =	ssyncadd.s32 $0xFFFFE000  }
0x5c: {  	[tilespmem:s20], [sflag:$0x6] =	stream.indirect.gather @!p0 [hbm4b:s3+s17], $0x40, s18, s17, $0xb8;
	[tilespmem:$0x13400] =	vst v63  }
0x5d: {  	_ =	swait.ge [sflag:s28], $0x2000  }
0x5e: {  	[sflag:s28] =	ssyncset.done $0x0  }
0x5f: {  	s20 =	sadd.s32 s5, s9;
	[sflag:s28] =	ssyncadd.s32 $0xFFFFE000  }
0x60: {  	[hbm4b:s20+s2] =	stream.linear.scatter [tilespmem:s29], [sflag:$0x9], $0x2000, $0x38;
	[tilespmem:$0x13400] =	vst v63  }
0x61: {  	_ =	swait.ge [sflag:s15], $0x2000  }
0x62: {  	[sflag:s15] =	ssyncset.done $0x0  }
0x63: {  	s4 =	sadd.s32 @!p0 $0x700, s4;
	s18 =	simm.s32 @!p0 $0xF400;
	[sflag:s15] =	ssyncadd.s32 $0xFFFFE000  }
0x64: {  	[tilespmem:s18], [sflag:$0x7] =	stream.indirect.gather @!p0 [hbm4b:s3+s17], $0x40, s4, s17, $0xb8;
	[tilespmem:$0x13400] =	vst v63  }
0x65: {  	_ =	swait.ge [sflag:s30], $0x2000  }
0x66: {  	[sflag:s30] =	ssyncset.done $0x0  }
.Ltmp2:
0x67: {  	s20 =	sadd.s32 s5, s8;
	[sflag:s30] =	ssyncadd.s32 $0xFFFFE000;
	(pc) =	sbr.rel @p0 .LBB2_4-.Ltmp2, $4  }
0x68: {  	[hbm4b:s20+s2] =	stream.linear.scatter [tilespmem:s31], [sflag:$0x9], $0x2000, $0x38;
	[tilespmem:$0x13400] =	vst v63  }
0x69: {  	_ =	swait.ge [sflag:s15], $0x2000  }
0x6a: {  	[sflag:s15] =	ssyncset.done $0x0  }
0x6b: {  	[sflag:s15] =	ssyncadd.s32 $0xFFFFE000  }
.Ltmp3:
0x6c: {  	(pc) =	sbr.rel .LBB2_2-.Ltmp3, $4  }
0x6d: {  	_ = 	snop  }
0x6e: {  	s4 =	sshra.s32 s6, $0x2  }
0x6f: {  	s6 =	sadd.s32 $0x1000, s6;
	s5 =	sadd.s32 $0x2000, s5;
	s4 =	sadd.s32 $0x780, s4  }
0x70: {  	[tilespmem:s31], [sflag:$0x8] =	stream.indirect.gather [hbm4b:s3+s16], $0x40, s4, s16, $0xb8;
	[tilespmem:$0x13400] =	vst v63  }
.LBB2_5:
0x71: {  	_ =	sfence.sel $0x180000  }
0x72: {  	[bflag:$0x0] =	sbarrier.arrive $0xFFFF  }
0x73: {  	_ =	strace $0x90000047  }
0x74: {  	s0 =	stileid.u32;
	[bflag:$0x2] =	sbarrier.arrive $0xFFFF  }
0x75: {  	p0 =	sne.s32 s0, $0x0;
	s0 =	rddreg [dreg:$0x1]  }
0x76: {  	s0 =	sadd.s32 @!p0 $0x100000, s0  }
0x77: {  	[sflag:s0] =	ssyncadd.tile.s32 @!p0 $0x1;
	_ =	shalt  }
.Lfunc_end2:
_tile_overlayer_lowered:
.L_overlay_start_2:
0x78: {  	(tag) =	ssettag $0x2  }
0x79: {  	s0 =	rddreg [dreg:$0x0];
	s2 =	stileid.u32  }
0x7a: {  	s1 =	rddreg [dreg:$0x1];
	p0 =	sne.s32 s2, $0x0  }
0x7b: {  	s3 =	rddreg [dreg:$0x2];
	[bflag:$0x3] =	sbarrier.arrive $0xFFFF;
	s2 =	simm.s32 @!p0 $0x1C09  }
0x7c: {  	[timem:s3], [sflag:s2] =	dma.local @!p0 [hbm:s0], s1  }
0x7d: {  	s0 =	simm.s32 @!p0 $0x9  }
0x7e: {  	_ =	swait.ge @!p0 [sflag:s0], s1  }
0x7f: {  	s1 =	ssub.s32 @!p0 $0x0, s1;
	[sflag:s0] =	ssyncset.done @!p0 $0x0  }
0x80: {  	[sflag:s0] =	ssyncadd.s32 @!p0 s1  }
0x81: {  	[bflag:$0x3] =	sbarrier.arrive $0xFFFF  }
0x82: {  	_ =	shalt  }

</sc_bundles>
